<compile_context>
chip_gen: v7x
topology: tpu7x:2x2x1
jax: 0.10.2.dev20260603
libtpu: 0.0.44.dev20260713+nightly
codegen_flags: <defaults>
</compile_context>

<pallas_src>
import jax
import jax.numpy as jnp
from jax import lax
from jax.experimental import pallas as pl
from jax.experimental.pallas import tpu as pltpu
from jax.experimental.pallas import tpu_sc as plsc

BATCH = 8192
DIM = 2048
NC = 2
NS = 16
NW = NC * NS
LANES = 16
ROWS_PER_W = BATCH // NW
R = 4
CHUNKS = ROWS_PER_W // R
NBUF = 4
JGROUPS = DIM // LANES


def _body(in_hbm, perm_hbm, out_hbm, ld_hbm, perm_v, zero_v, *bufs):
    in_v = bufs[0:NBUF]
    out_v = bufs[NBUF:2 * NBUF]
    si = bufs[2 * NBUF:3 * NBUF]
    so = bufs[3 * NBUF:4 * NBUF]

    wid = lax.axis_index("s") * NC + lax.axis_index("c")
    row0 = wid * ROWS_PER_W

    def in_cp(c, b):
        return pltpu.make_async_copy(
            in_hbm.at[pl.ds(row0 + c * R, R), :], in_v[b], si[b])

    def out_cp(c, b):
        return pltpu.make_async_copy(
            out_v[b], out_hbm.at[pl.ds(row0 + c * R, R), :], so[b])

    for b in range(NBUF):
        in_cp(b, b).start()

    for i in range(ROWS_PER_W // LANES):
        zero_v[pl.ds(i * LANES, LANES)] = jnp.zeros((LANES,), jnp.float32)
    pltpu.sync_copy(zero_v, ld_hbm.at[pl.ds(wid * ROWS_PER_W, ROWS_PER_W)])

    pltpu.sync_copy(perm_hbm, perm_v)

    def gather_chunk(inbuf, outbuf):
        @plsc.parallel_loop(0, JGROUPS, unroll=4)
        def jg_body(jg):
            idx = perm_v[pl.ds(jg * LANES, LANES)]
            for r in range(R):
                row_idx = jnp.full((LANES,), r, jnp.int32)
                g = plsc.load_gather(inbuf, [row_idx, idx])
                outbuf[r, pl.ds(jg * LANES, LANES)] = g

    def super_body(k, carry):
        for b in range(NBUF):
            c = k * NBUF + b
            in_cp(c, b).wait()

            @pl.when(k > 0)
            def _wait_out():
                out_cp(c - NBUF, b).wait()

            gather_chunk(in_v[b], out_v[b])
            out_cp(c, b).start()

            @pl.when(k < (CHUNKS // NBUF - 1))
            def _start_next_in():
                in_cp(c + NBUF, b).start()
        return carry

    lax.fori_loop(0, CHUNKS // NBUF, super_body, None)
    for b in range(NBUF):
        out_cp(CHUNKS - NBUF + b, b).wait()


@jax.jit
def kernel(inputs, perm):
    permute = pl.kernel(
        _body,
        out_type=[
            jax.ShapeDtypeStruct((BATCH, DIM), jnp.float32),
            jax.ShapeDtypeStruct((BATCH,), jnp.float32),
        ],
        mesh=plsc.VectorSubcoreMesh(core_axis_name="c", subcore_axis_name="s"),
        compiler_params=pltpu.CompilerParams(needs_layout_passes=False),
        scratch_types=(
            [pltpu.VMEM((DIM,), jnp.int32),
             pltpu.VMEM((ROWS_PER_W,), jnp.float32)]
            + [pltpu.VMEM((R, DIM), jnp.float32) for _ in range(2 * NBUF)]
            + [pltpu.SemaphoreType.DMA for _ in range(2 * NBUF)]
        ),
    )
    out, logdet = permute(inputs, perm.astype(jnp.int32))
    return (out, logdet)

# --- scband reference (transcript-rebuilt; emitter-appended) ---
"""Pipeline reference for scband-random-1279900254432 (READ-ONLY COPY).

The authoritative reference and input builder live on the scoring server;
editing this copy changes nothing except your own understanding.
"""

import jax, jax.numpy as jnp
import numpy as np

INPUT_DIM = 2048
BATCH = 8192


def setup_inputs(seed: int = 0) -> dict:
    key = jax.random.key(seed)
    k1, k2 = jax.random.split(key)
    inputs = jax.random.normal(k1, (BATCH, INPUT_DIM), dtype=jnp.float32)
    # 'learned' (fixed) random permutation, analogous to setup() in the flax module
    perm = jax.random.permutation(k2, jnp.arange(INPUT_DIM))
    return {"inputs": inputs, "perm": perm}


def reference(inputs, perm):
    # Faithful translation of Random.__call__: permute columns, return zero log-det
    out = inputs[:, perm]
    logdet = jnp.zeros(inputs.shape[:1])
    return (out, logdet)

if __name__ == "__main__":
    import jax
    _d = setup_inputs()
    print(jax.jit(kernel)(*tuple(_d.values())))

</pallas_src>

<mosaic_0001>
#map = affine_map<(d0, d1) -> (0, 0)>
#map1 = affine_map<(d0, d1) -> (0)>
module attributes {stable_mosaic.version = 14 : i64} {
  func.func @_body(%arg0: i32, %arg1: i32, %arg2: memref<8192x2048xf32, #tpu.memory_space<hbm>>, %arg3: memref<2048xi32, #tpu.memory_space<hbm>>, %arg4: memref<8192x2048xf32, #tpu.memory_space<hbm>>, %arg5: memref<8192xf32, #tpu.memory_space<hbm>>, %arg6: memref<2048xi32, #tpu.memory_space<vmem>>, %arg7: memref<256xf32, #tpu.memory_space<vmem>>, %arg8: memref<4x2048xf32, #tpu.memory_space<vmem>>, %arg9: memref<4x2048xf32, #tpu.memory_space<vmem>>, %arg10: memref<4x2048xf32, #tpu.memory_space<vmem>>, %arg11: memref<4x2048xf32, #tpu.memory_space<vmem>>, %arg12: memref<4x2048xf32, #tpu.memory_space<vmem>>, %arg13: memref<4x2048xf32, #tpu.memory_space<vmem>>, %arg14: memref<4x2048xf32, #tpu.memory_space<vmem>>, %arg15: memref<4x2048xf32, #tpu.memory_space<vmem>>, %arg16: memref<!tpu.dma_semaphore, #tpu.memory_space<semaphore_mem>>, %arg17: memref<!tpu.dma_semaphore, #tpu.memory_space<semaphore_mem>>, %arg18: memref<!tpu.dma_semaphore, #tpu.memory_space<semaphore_mem>>, %arg19: memref<!tpu.dma_semaphore, #tpu.memory_space<semaphore_mem>>, %arg20: memref<!tpu.dma_semaphore, #tpu.memory_space<semaphore_mem>>, %arg21: memref<!tpu.dma_semaphore, #tpu.memory_space<semaphore_mem>>, %arg22: memref<!tpu.dma_semaphore, #tpu.memory_space<semaphore_mem>>, %arg23: memref<!tpu.dma_semaphore, #tpu.memory_space<semaphore_mem>>) attributes {dimension_semantics = [#tpu.dimension_semantics<core_parallel>, #tpu.dimension_semantics<subcore_parallel>], iteration_bounds = array<i64: 2, 16>, scalar_prefetch = 0 : i64, scratch_operands = 18 : i64, tpu.core_type = #tpu.core_type<sc_vector_subcore>, window_params = [{transform_indices = #map}, {transform_indices = #map1}, {transform_indices = #map}, {transform_indices = #map1}]} {
    %mul3A = arith.constant 2 : i32
    %mul3A_0 = arith.muli %arg1, %mul3A : i32
    %add3A = arith.addi %mul3A_0, %arg0 : i32
    %mul3A_1 = arith.constant 256 : i32
    %mul3A_2 = arith.muli %add3A, %mul3A_1 : i32
    %add3A_3 = arith.constant 0 : i32
    %add3A_4 = arith.addi %mul3A_2, %add3A_3 : i32
    %dma_start3A = arith.constant 0 : i32
    %dma_start3A_5 = tpu.memref_slice %arg2[%add3A_4, %dma_start3A] : memref<8192x2048xf32, #tpu.memory_space<hbm>> -> memref<4x2048xf32, #tpu.memory_space<hbm>>
    %dma_start3A_6 = arith.constant 0 : i32
    %dma_start3A_7 = tpu.memref_slice %arg2[%add3A_4, %dma_start3A_6] : memref<8192x2048xf32, #tpu.memory_space<hbm>> -> memref<4x2048xf32, #tpu.memory_space<hbm>>
    tpu.enqueue_dma source(%dma_start3A_7 : memref<4x2048xf32, #tpu.memory_space<hbm>>) target(%arg8 : memref<4x2048xf32, #tpu.memory_space<vmem>>) target_semaphore(%arg16 : memref<!tpu.dma_semaphore, #tpu.memory_space<semaphore_mem>>)
    %add3A_8 = arith.constant 4 : i32
    %add3A_9 = arith.addi %mul3A_2, %add3A_8 : i32
    %dma_start3A_10 = arith.constant 0 : i32
    %dma_start3A_11 = tpu.memref_slice %arg2[%add3A_9, %dma_start3A_10] : memref<8192x2048xf32, #tpu.memory_space<hbm>> -> memref<4x2048xf32, #tpu.memory_space<hbm>>
    %dma_start3A_12 = arith.constant 0 : i32
    %dma_start3A_13 = tpu.memref_slice %arg2[%add3A_9, %dma_start3A_12] : memref<8192x2048xf32, #tpu.memory_space<hbm>> -> memref<4x2048xf32, #tpu.memory_space<hbm>>
    tpu.enqueue_dma source(%dma_start3A_13 : memref<4x2048xf32, #tpu.memory_space<hbm>>) target(%arg9 : memref<4x2048xf32, #tpu.memory_space<vmem>>) target_semaphore(%arg17 : memref<!tpu.dma_semaphore, #tpu.memory_space<semaphore_mem>>)
    %add3A_14 = arith.constant 8 : i32
    %add3A_15 = arith.addi %mul3A_2, %add3A_14 : i32
    %dma_start3A_16 = arith.constant 0 : i32
    %dma_start3A_17 = tpu.memref_slice %arg2[%add3A_15, %dma_start3A_16] : memref<8192x2048xf32, #tpu.memory_space<hbm>> -> memref<4x2048xf32, #tpu.memory_space<hbm>>
    %dma_start3A_18 = arith.constant 0 : i32
    %dma_start3A_19 = tpu.memref_slice %arg2[%add3A_15, %dma_start3A_18] : memref<8192x2048xf32, #tpu.memory_space<hbm>> -> memref<4x2048xf32, #tpu.memory_space<hbm>>
    tpu.enqueue_dma source(%dma_start3A_19 : memref<4x2048xf32, #tpu.memory_space<hbm>>) target(%arg10 : memref<4x2048xf32, #tpu.memory_space<vmem>>) target_semaphore(%arg18 : memref<!tpu.dma_semaphore, #tpu.memory_space<semaphore_mem>>)
    %add3A_20 = arith.constant 12 : i32
    %add3A_21 = arith.addi %mul3A_2, %add3A_20 : i32
    %dma_start3A_22 = arith.constant 0 : i32
    %dma_start3A_23 = tpu.memref_slice %arg2[%add3A_21, %dma_start3A_22] : memref<8192x2048xf32, #tpu.memory_space<hbm>> -> memref<4x2048xf32, #tpu.memory_space<hbm>>
    %dma_start3A_24 = arith.constant 0 : i32
    %dma_start3A_25 = tpu.memref_slice %arg2[%add3A_21, %dma_start3A_24] : memref<8192x2048xf32, #tpu.memory_space<hbm>> -> memref<4x2048xf32, #tpu.memory_space<hbm>>
    tpu.enqueue_dma source(%dma_start3A_25 : memref<4x2048xf32, #tpu.memory_space<hbm>>) target(%arg11 : memref<4x2048xf32, #tpu.memory_space<vmem>>) target_semaphore(%arg19 : memref<!tpu.dma_semaphore, #tpu.memory_space<semaphore_mem>>)
    %broadcast_in_dim3A = arith.constant 0.000000e+00 : f32
    %broadcast_in_dim3A_26 = vector.broadcast %broadcast_in_dim3A : f32 to vector<16xf32>
    %swap3A = arith.constant 0 : index
    %swap3A_27 = tpu.vector_load %arg7[%swap3A] {strides = array<i32>} : memref<256xf32, #tpu.memory_space<vmem>>, vector<16xf32>,
    tpu.vector_store %arg7[%swap3A], %broadcast_in_dim3A_26 {strides = array<i32>} : memref<256xf32, #tpu.memory_space<vmem>>, vector<16xf32>,
    %broadcast_in_dim3A_28 = arith.constant 0.000000e+00 : f32
    %broadcast_in_dim3A_29 = vector.broadcast %broadcast_in_dim3A_28 : f32 to vector<16xf32>
    %swap3A_30 = arith.constant 16 : index
    %swap3A_31 = tpu.vector_load %arg7[%swap3A_30] {strides = array<i32>} : memref<256xf32, #tpu.memory_space<vmem>>, vector<16xf32>,
    tpu.vector_store %arg7[%swap3A_30], %broadcast_in_dim3A_29 {strides = array<i32>} : memref<256xf32, #tpu.memory_space<vmem>>, vector<16xf32>,
    %broadcast_in_dim3A_32 = arith.constant 0.000000e+00 : f32
    %broadcast_in_dim3A_33 = vector.broadcast %broadcast_in_dim3A_32 : f32 to vector<16xf32>
    %swap3A_34 = arith.constant 32 : index
    %swap3A_35 = tpu.vector_load %arg7[%swap3A_34] {strides = array<i32>} : memref<256xf32, #tpu.memory_space<vmem>>, vector<16xf32>,
    tpu.vector_store %arg7[%swap3A_34], %broadcast_in_dim3A_33 {strides = array<i32>} : memref<256xf32, #tpu.memory_space<vmem>>, vector<16xf32>,
    %broadcast_in_dim3A_36 = arith.constant 0.000000e+00 : f32
    %broadcast_in_dim3A_37 = vector.broadcast %broadcast_in_dim3A_36 : f32 to vector<16xf32>
    %swap3A_38 = arith.constant 48 : index
    %swap3A_39 = tpu.vector_load %arg7[%swap3A_38] {strides = array<i32>} : memref<256xf32, #tpu.memory_space<vmem>>, vector<16xf32>,
    tpu.vector_store %arg7[%swap3A_38], %broadcast_in_dim3A_37 {strides = array<i32>} : memref<256xf32, #tpu.memory_space<vmem>>, vector<16xf32>,
    %broadcast_in_dim3A_40 = arith.constant 0.000000e+00 : f32
    %broadcast_in_dim3A_41 = vector.broadcast %broadcast_in_dim3A_40 : f32 to vector<16xf32>
    %swap3A_42 = arith.constant 64 : index
    %swap3A_43 = tpu.vector_load %arg7[%swap3A_42] {strides = array<i32>} : memref<256xf32, #tpu.memory_space<vmem>>, vector<16xf32>,
    tpu.vector_store %arg7[%swap3A_42], %broadcast_in_dim3A_41 {strides = array<i32>} : memref<256xf32, #tpu.memory_space<vmem>>, vector<16xf32>,
    %broadcast_in_dim3A_44 = arith.constant 0.000000e+00 : f32
    %broadcast_in_dim3A_45 = vector.broadcast %broadcast_in_dim3A_44 : f32 to vector<16xf32>
    %swap3A_46 = arith.constant 80 : index
    %swap3A_47 = tpu.vector_load %arg7[%swap3A_46] {strides = array<i32>} : memref<256xf32, #tpu.memory_space<vmem>>, vector<16xf32>,
    tpu.vector_store %arg7[%swap3A_46], %broadcast_in_dim3A_45 {strides = array<i32>} : memref<256xf32, #tpu.memory_space<vmem>>, vector<16xf32>,
    %broadcast_in_dim3A_48 = arith.constant 0.000000e+00 : f32
    %broadcast_in_dim3A_49 = vector.broadcast %broadcast_in_dim3A_48 : f32 to vector<16xf32>
    %swap3A_50 = arith.constant 96 : index
    %swap3A_51 = tpu.vector_load %arg7[%swap3A_50] {strides = array<i32>} : memref<256xf32, #tpu.memory_space<vmem>>, vector<16xf32>,
    tpu.vector_store %arg7[%swap3A_50], %broadcast_in_dim3A_49 {strides = array<i32>} : memref<256xf32, #tpu.memory_space<vmem>>, vector<16xf32>,
    %broadcast_in_dim3A_52 = arith.constant 0.000000e+00 : f32
    %broadcast_in_dim3A_53 = vector.broadcast %broadcast_in_dim3A_52 : f32 to vector<16xf32>
    %swap3A_54 = arith.constant 112 : index
    %swap3A_55 = tpu.vector_load %arg7[%swap3A_54] {strides = array<i32>} : memref<256xf32, #tpu.memory_space<vmem>>, vector<16xf32>,
    tpu.vector_store %arg7[%swap3A_54], %broadcast_in_dim3A_53 {strides = array<i32>} : memref<256xf32, #tpu.memory_space<vmem>>, vector<16xf32>,
    %broadcast_in_dim3A_56 = arith.constant 0.000000e+00 : f32
    %broadcast_in_dim3A_57 = vector.broadcast %broadcast_in_dim3A_56 : f32 to vector<16xf32>
    %swap3A_58 = arith.constant 128 : index
    %swap3A_59 = tpu.vector_load %arg7[%swap3A_58] {strides = array<i32>} : memref<256xf32, #tpu.memory_space<vmem>>, vector<16xf32>,
    tpu.vector_store %arg7[%swap3A_58], %broadcast_in_dim3A_57 {strides = array<i32>} : memref<256xf32, #tpu.memory_space<vmem>>, vector<16xf32>,
    %broadcast_in_dim3A_60 = arith.constant 0.000000e+00 : f32
    %broadcast_in_dim3A_61 = vector.broadcast %broadcast_in_dim3A_60 : f32 to vector<16xf32>
    %swap3A_62 = arith.constant 144 : index
    %swap3A_63 = tpu.vector_load %arg7[%swap3A_62] {strides = array<i32>} : memref<256xf32, #tpu.memory_space<vmem>>, vector<16xf32>,
    tpu.vector_store %arg7[%swap3A_62], %broadcast_in_dim3A_61 {strides = array<i32>} : memref<256xf32, #tpu.memory_space<vmem>>, vector<16xf32>,
    %broadcast_in_dim3A_64 = arith.constant 0.000000e+00 : f32
    %broadcast_in_dim3A_65 = vector.broadcast %broadcast_in_dim3A_64 : f32 to vector<16xf32>
    %swap3A_66 = arith.constant 160 : index
    %swap3A_67 = tpu.vector_load %arg7[%swap3A_66] {strides = array<i32>} : memref<256xf32, #tpu.memory_space<vmem>>, vector<16xf32>,
    tpu.vector_store %arg7[%swap3A_66], %broadcast_in_dim3A_65 {strides = array<i32>} : memref<256xf32, #tpu.memory_space<vmem>>, vector<16xf32>,
    %broadcast_in_dim3A_68 = arith.constant 0.000000e+00 : f32
    %broadcast_in_dim3A_69 = vector.broadcast %broadcast_in_dim3A_68 : f32 to vector<16xf32>
    %swap3A_70 = arith.constant 176 : index
    %swap3A_71 = tpu.vector_load %arg7[%swap3A_70] {strides = array<i32>} : memref<256xf32, #tpu.memory_space<vmem>>, vector<16xf32>,
    tpu.vector_store %arg7[%swap3A_70], %broadcast_in_dim3A_69 {strides = array<i32>} : memref<256xf32, #tpu.memory_space<vmem>>, vector<16xf32>,
    %broadcast_in_dim3A_72 = arith.constant 0.000000e+00 : f32
    %broadcast_in_dim3A_73 = vector.broadcast %broadcast_in_dim3A_72 : f32 to vector<16xf32>
    %swap3A_74 = arith.constant 192 : index
    %swap3A_75 = tpu.vector_load %arg7[%swap3A_74] {strides = array<i32>} : memref<256xf32, #tpu.memory_space<vmem>>, vector<16xf32>,
    tpu.vector_store %arg7[%swap3A_74], %broadcast_in_dim3A_73 {strides = array<i32>} : memref<256xf32, #tpu.memory_space<vmem>>, vector<16xf32>,
    %broadcast_in_dim3A_76 = arith.constant 0.000000e+00 : f32
    %broadcast_in_dim3A_77 = vector.broadcast %broadcast_in_dim3A_76 : f32 to vector<16xf32>
    %swap3A_78 = arith.constant 208 : index
    %swap3A_79 = tpu.vector_load %arg7[%swap3A_78] {strides = array<i32>} : memref<256xf32, #tpu.memory_space<vmem>>, vector<16xf32>,
    tpu.vector_store %arg7[%swap3A_78], %broadcast_in_dim3A_77 {strides = array<i32>} : memref<256xf32, #tpu.memory_space<vmem>>, vector<16xf32>,
    %broadcast_in_dim3A_80 = arith.constant 0.000000e+00 : f32
    %broadcast_in_dim3A_81 = vector.broadcast %broadcast_in_dim3A_80 : f32 to vector<16xf32>
    %swap3A_82 = arith.constant 224 : index
    %swap3A_83 = tpu.vector_load %arg7[%swap3A_82] {strides = array<i32>} : memref<256xf32, #tpu.memory_space<vmem>>, vector<16xf32>,
    tpu.vector_store %arg7[%swap3A_82], %broadcast_in_dim3A_81 {strides = array<i32>} : memref<256xf32, #tpu.memory_space<vmem>>, vector<16xf32>,
    %broadcast_in_dim3A_84 = arith.constant 0.000000e+00 : f32
    %broadcast_in_dim3A_85 = vector.broadcast %broadcast_in_dim3A_84 : f32 to vector<16xf32>
    %swap3A_86 = arith.constant 240 : index
    %swap3A_87 = tpu.vector_load %arg7[%swap3A_86] {strides = array<i32>} : memref<256xf32, #tpu.memory_space<vmem>>, vector<16xf32>,
    tpu.vector_store %arg7[%swap3A_86], %broadcast_in_dim3A_85 {strides = array<i32>} : memref<256xf32, #tpu.memory_space<vmem>>, vector<16xf32>,
    %mul3A_88 = arith.constant 256 : i32
    %mul3A_89 = arith.muli %add3A, %mul3A_88 : i32
    "tpu.region"() ({
      %run_scoped3A = tpu.sem_alloc : memref<!tpu.dma_semaphore, #tpu.memory_space<semaphore_mem>>
      %dma_start3A_117 = tpu.memref_slice %arg5[%mul3A_89] : memref<8192xf32, #tpu.memory_space<hbm>> -> memref<256xf32, #tpu.memory_space<hbm>>
      %dma_start3A_118 = tpu.memref_slice %arg5[%mul3A_89] : memref<8192xf32, #tpu.memory_space<hbm>> -> memref<256xf32, #tpu.memory_space<hbm>>
      tpu.enqueue_dma source(%arg7 : memref<256xf32, #tpu.memory_space<vmem>>) target(%dma_start3A_118 : memref<256xf32, #tpu.memory_space<hbm>>) target_semaphore(%run_scoped3A : memref<!tpu.dma_semaphore, #tpu.memory_space<semaphore_mem>>)
      %dma_wait3A_119 = tpu.memref_slice %arg5[%mul3A_89] : memref<8192xf32, #tpu.memory_space<hbm>> -> memref<256xf32, #tpu.memory_space<hbm>>
      %dma_wait3A_120 = tpu.memref_slice %arg5[%mul3A_89] : memref<8192xf32, #tpu.memory_space<hbm>> -> memref<256xf32, #tpu.memory_space<hbm>>
      tpu.wait_dma2 semaphore(%run_scoped3A : memref<!tpu.dma_semaphore, #tpu.memory_space<semaphore_mem>>) src(%arg7 : memref<256xf32, #tpu.memory_space<vmem>>) dst(%dma_wait3A_120 : memref<256xf32, #tpu.memory_space<hbm>>)
      tpu.yield
    }) : () -> ()
    "tpu.region"() ({
      %run_scoped3A = tpu.sem_alloc : memref<!tpu.dma_semaphore, #tpu.memory_space<semaphore_mem>>
      tpu.enqueue_dma source(%arg3 : memref<2048xi32, #tpu.memory_space<hbm>>) target(%arg6 : memref<2048xi32, #tpu.memory_space<vmem>>) target_semaphore(%run_scoped3A : memref<!tpu.dma_semaphore, #tpu.memory_space<semaphore_mem>>)
      tpu.wait_dma2 semaphore(%run_scoped3A : memref<!tpu.dma_semaphore, #tpu.memory_space<semaphore_mem>>) src(%arg3 : memref<2048xi32, #tpu.memory_space<hbm>>) dst(%arg6 : memref<2048xi32, #tpu.memory_space<vmem>>)
      tpu.yield
    }) : () -> ()
    %scan3A = arith.constant 0 : i32
    %scan3A_90 = arith.constant 16 : i32
    %scan3A_91 = arith.addi %scan3A, %scan3A_90 : i32
    %scan3A_92 = arith.constant 1 : i32
    scf.for %scan3A_117 = %scan3A to %scan3A_91 step %scan3A_92  : i32 {
      %mul3A_118 = arith.constant 4 : i32
      %mul3A_119 = arith.muli %scan3A_117, %mul3A_118 : i32
      %add3A_120 = arith.constant 0 : i32
      %add3A_121 = arith.addi %mul3A_119, %add3A_120 : i32
      %mul3A_122 = arith.constant 4 : i32
      %mul3A_123 = arith.muli %add3A_121, %mul3A_122 : i32
      %add3A_124 = arith.addi %mul3A_2, %mul3A_123 : i32
      %dma_wait3A_125 = arith.constant 0 : i32
      %dma_wait3A_126 = tpu.memref_slice %arg2[%add3A_124, %dma_wait3A_125] : memref<8192x2048xf32, #tpu.memory_space<hbm>> -> memref<4x2048xf32, #tpu.memory_space<hbm>>
      %dma_wait3A_127 = arith.constant 0 : i32
      %dma_wait3A_128 = tpu.memref_slice %arg2[%add3A_124, %dma_wait3A_127] : memref<8192x2048xf32, #tpu.memory_space<hbm>> -> memref<4x2048xf32, #tpu.memory_space<hbm>>
      tpu.wait_dma2 semaphore(%arg16 : memref<!tpu.dma_semaphore, #tpu.memory_space<semaphore_mem>>) src(%dma_wait3A_128 : memref<4x2048xf32, #tpu.memory_space<hbm>>) dst(%arg8 : memref<4x2048xf32, #tpu.memory_space<vmem>>)
      %gt3A = arith.constant 0 : i32
      %gt3A_129 = arith.cmpi sgt, %scan3A_117, %gt3A : i32
      %convert_element_type3A = arith.extui %gt3A_129 : i1 to i32
      %cond3A = arith.constant 0 : i32
      %cond3A_130 = arith.cmpi ne, %convert_element_type3A, %cond3A : i32
      scf.if %cond3A_130 {
        %sub3A = arith.constant 4 : i32
        %sub3A_237 = arith.subi %add3A_121, %sub3A : i32
        %mul3A_238 = arith.constant 4 : i32
        %mul3A_239 = arith.muli %sub3A_237, %mul3A_238 : i32
        %add3A_240 = arith.addi %mul3A_2, %mul3A_239 : i32
        %dma_wait3A_241 = arith.constant 0 : i32
        %dma_wait3A_242 = tpu.memref_slice %arg4[%add3A_240, %dma_wait3A_241] : memref<8192x2048xf32, #tpu.memory_space<hbm>> -> memref<4x2048xf32, #tpu.memory_space<hbm>>
        %dma_wait3A_243 = arith.constant 0 : i32
        %dma_wait3A_244 = tpu.memref_slice %arg4[%add3A_240, %dma_wait3A_243] : memref<8192x2048xf32, #tpu.memory_space<hbm>> -> memref<4x2048xf32, #tpu.memory_space<hbm>>
        tpu.wait_dma2 semaphore(%arg20 : memref<!tpu.dma_semaphore, #tpu.memory_space<semaphore_mem>>) src(%arg12 : memref<4x2048xf32, #tpu.memory_space<vmem>>) dst(%dma_wait3A_244 : memref<4x2048xf32, #tpu.memory_space<hbm>>)
      } else {
      }
      %parallel_loop3A = arith.constant 0 : i32
      %parallel_loop3A_131 = arith.constant 128 : i32
      %parallel_loop3A_132 = arith.constant 1 : i32
      scf.for %parallel_loop3A_237 = %parallel_loop3A to %parallel_loop3A_131 step %parallel_loop3A_132  : i32 {
        %parallel_loop3A_238 = arith.constant 16 : i32
        %parallel_loop3A_239 = arith.muli %parallel_loop3A_237, %parallel_loop3A_238 : i32
        %parallel_loop3A_240 = arith.index_cast %parallel_loop3A_239 : i32 to index
        %parallel_loop3A_241 = tpu.vector_load %arg6[%parallel_loop3A_240] {strides = array<i32>} : memref<2048xi32, #tpu.memory_space<vmem>>, vector<16xi32>,
        %parallel_loop3A_242 = arith.constant 0 : i32
        %parallel_loop3A_243 = vector.broadcast %parallel_loop3A_242 : i32 to vector<16xi32>
        %parallel_loop3A_244 = tpu.vector_load_idx %arg8[%parallel_loop3A_243, %parallel_loop3A_241] : memref<4x2048xf32, #tpu.memory_space<vmem>>[vector<16xi32>, vector<16xi32>], vector<16xf32>,
        %parallel_loop3A_245 = arith.constant 16 : i32
        %parallel_loop3A_246 = arith.muli %parallel_loop3A_237, %parallel_loop3A_245 : i32
        %parallel_loop3A_247 = arith.constant 0 : i32
        %parallel_loop3A_248 = arith.index_cast %parallel_loop3A_247 : i32 to index
        %parallel_loop3A_249 = arith.index_cast %parallel_loop3A_246 : i32 to index
        %parallel_loop3A_250 = tpu.vector_load %arg12[%parallel_loop3A_248, %parallel_loop3A_249] {strides = array<i32>} : memref<4x2048xf32, #tpu.memory_space<vmem>>, vector<16xf32>,
        tpu.vector_store %arg12[%parallel_loop3A_248, %parallel_loop3A_249], %parallel_loop3A_244 {strides = array<i32>} : memref<4x2048xf32, #tpu.memory_space<vmem>>, vector<16xf32>,
        %parallel_loop3A_251 = arith.constant 1 : i32
        %parallel_loop3A_252 = vector.broadcast %parallel_loop3A_251 : i32 to vector<16xi32>
        %parallel_loop3A_253 = tpu.vector_load_idx %arg8[%parallel_loop3A_252, %parallel_loop3A_241] : memref<4x2048xf32, #tpu.memory_space<vmem>>[vector<16xi32>, vector<16xi32>], vector<16xf32>,
        %parallel_loop3A_254 = arith.constant 16 : i32
        %parallel_loop3A_255 = arith.muli %parallel_loop3A_237, %parallel_loop3A_254 : i32
        %parallel_loop3A_256 = arith.constant 1 : i32
        %parallel_loop3A_257 = arith.index_cast %parallel_loop3A_256 : i32 to index
        %parallel_loop3A_258 = arith.index_cast %parallel_loop3A_255 : i32 to index
        %parallel_loop3A_259 = tpu.vector_load %arg12[%parallel_loop3A_257, %parallel_loop3A_258] {strides = array<i32>} : memref<4x2048xf32, #tpu.memory_space<vmem>>, vector<16xf32>,
        tpu.vector_store %arg12[%parallel_loop3A_257, %parallel_loop3A_258], %parallel_loop3A_253 {strides = array<i32>} : memref<4x2048xf32, #tpu.memory_space<vmem>>, vector<16xf32>,
        %parallel_loop3A_260 = arith.constant 2 : i32
        %parallel_loop3A_261 = vector.broadcast %parallel_loop3A_260 : i32 to vector<16xi32>
        %parallel_loop3A_262 = tpu.vector_load_idx %arg8[%parallel_loop3A_261, %parallel_loop3A_241] : memref<4x2048xf32, #tpu.memory_space<vmem>>[vector<16xi32>, vector<16xi32>], vector<16xf32>,
        %parallel_loop3A_263 = arith.constant 16 : i32
        %parallel_loop3A_264 = arith.muli %parallel_loop3A_237, %parallel_loop3A_263 : i32
        %parallel_loop3A_265 = arith.constant 2 : i32
        %parallel_loop3A_266 = arith.index_cast %parallel_loop3A_265 : i32 to index
        %parallel_loop3A_267 = arith.index_cast %parallel_loop3A_264 : i32 to index
        %parallel_loop3A_268 = tpu.vector_load %arg12[%parallel_loop3A_266, %parallel_loop3A_267] {strides = array<i32>} : memref<4x2048xf32, #tpu.memory_space<vmem>>, vector<16xf32>,
        tpu.vector_store %arg12[%parallel_loop3A_266, %parallel_loop3A_267], %parallel_loop3A_262 {strides = array<i32>} : memref<4x2048xf32, #tpu.memory_space<vmem>>, vector<16xf32>,
        %parallel_loop3A_269 = arith.constant 3 : i32
        %parallel_loop3A_270 = vector.broadcast %parallel_loop3A_269 : i32 to vector<16xi32>
        %parallel_loop3A_271 = tpu.vector_load_idx %arg8[%parallel_loop3A_270, %parallel_loop3A_241] : memref<4x2048xf32, #tpu.memory_space<vmem>>[vector<16xi32>, vector<16xi32>], vector<16xf32>,
        %parallel_loop3A_272 = arith.constant 16 : i32
        %parallel_loop3A_273 = arith.muli %parallel_loop3A_237, %parallel_loop3A_272 : i32
        %parallel_loop3A_274 = arith.constant 3 : i32
        %parallel_loop3A_275 = arith.index_cast %parallel_loop3A_274 : i32 to index
        %parallel_loop3A_276 = arith.index_cast %parallel_loop3A_273 : i32 to index
        %parallel_loop3A_277 = tpu.vector_load %arg12[%parallel_loop3A_275, %parallel_loop3A_276] {strides = array<i32>} : memref<4x2048xf32, #tpu.memory_space<vmem>>, vector<16xf32>,
        tpu.vector_store %arg12[%parallel_loop3A_275, %parallel_loop3A_276], %parallel_loop3A_271 {strides = array<i32>} : memref<4x2048xf32, #tpu.memory_space<vmem>>, vector<16xf32>,
      } {sc.loop_unroll_factor = 4 : i64, sc.parallel_access}
      %mul3A_133 = arith.constant 4 : i32
      %mul3A_134 = arith.muli %add3A_121, %mul3A_133 : i32
      %add3A_135 = arith.addi %mul3A_2, %mul3A_134 : i32
      %dma_start3A_136 = arith.constant 0 : i32
      %dma_start3A_137 = tpu.memref_slice %arg4[%add3A_135, %dma_start3A_136] : memref<8192x2048xf32, #tpu.memory_space<hbm>> -> memref<4x2048xf32, #tpu.memory_space<hbm>>
      %dma_start3A_138 = arith.constant 0 : i32
      %dma_start3A_139 = tpu.memref_slice %arg4[%add3A_135, %dma_start3A_138] : memref<8192x2048xf32, #tpu.memory_space<hbm>> -> memref<4x2048xf32, #tpu.memory_space<hbm>>
      tpu.enqueue_dma source(%arg12 : memref<4x2048xf32, #tpu.memory_space<vmem>>) target(%dma_start3A_139 : memref<4x2048xf32, #tpu.memory_space<hbm>>) target_semaphore(%arg20 : memref<!tpu.dma_semaphore, #tpu.memory_space<semaphore_mem>>)
      %lt3A = arith.constant 15 : i32
      %lt3A_140 = arith.cmpi slt, %scan3A_117, %lt3A : i32
      %convert_element_type3A_141 = arith.extui %lt3A_140 : i1 to i32
      %cond3A_142 = arith.constant 0 : i32
      %cond3A_143 = arith.cmpi ne, %convert_element_type3A_141, %cond3A_142 : i32
      scf.if %cond3A_143 {
        %add3A_237 = arith.constant 4 : i32
        %add3A_238 = arith.addi %add3A_121, %add3A_237 : i32
        %mul3A_239 = arith.constant 4 : i32
        %mul3A_240 = arith.muli %add3A_238, %mul3A_239 : i32
        %add3A_241 = arith.addi %mul3A_2, %mul3A_240 : i32
        %dma_start3A_242 = arith.constant 0 : i32
        %dma_start3A_243 = tpu.memref_slice %arg2[%add3A_241, %dma_start3A_242] : memref<8192x2048xf32, #tpu.memory_space<hbm>> -> memref<4x2048xf32, #tpu.memory_space<hbm>>
        %dma_start3A_244 = arith.constant 0 : i32
        %dma_start3A_245 = tpu.memref_slice %arg2[%add3A_241, %dma_start3A_244] : memref<8192x2048xf32, #tpu.memory_space<hbm>> -> memref<4x2048xf32, #tpu.memory_space<hbm>>
        tpu.enqueue_dma source(%dma_start3A_245 : memref<4x2048xf32, #tpu.memory_space<hbm>>) target(%arg8 : memref<4x2048xf32, #tpu.memory_space<vmem>>) target_semaphore(%arg16 : memref<!tpu.dma_semaphore, #tpu.memory_space<semaphore_mem>>)
      } else {
      }
      %mul3A_144 = arith.constant 4 : i32
      %mul3A_145 = arith.muli %scan3A_117, %mul3A_144 : i32
      %add3A_146 = arith.constant 1 : i32
      %add3A_147 = arith.addi %mul3A_145, %add3A_146 : i32
      %mul3A_148 = arith.constant 4 : i32
      %mul3A_149 = arith.muli %add3A_147, %mul3A_148 : i32
      %add3A_150 = arith.addi %mul3A_2, %mul3A_149 : i32
      %dma_wait3A_151 = arith.constant 0 : i32
      %dma_wait3A_152 = tpu.memref_slice %arg2[%add3A_150, %dma_wait3A_151] : memref<8192x2048xf32, #tpu.memory_space<hbm>> -> memref<4x2048xf32, #tpu.memory_space<hbm>>
      %dma_wait3A_153 = arith.constant 0 : i32
      %dma_wait3A_154 = tpu.memref_slice %arg2[%add3A_150, %dma_wait3A_153] : memref<8192x2048xf32, #tpu.memory_space<hbm>> -> memref<4x2048xf32, #tpu.memory_space<hbm>>
      tpu.wait_dma2 semaphore(%arg17 : memref<!tpu.dma_semaphore, #tpu.memory_space<semaphore_mem>>) src(%dma_wait3A_154 : memref<4x2048xf32, #tpu.memory_space<hbm>>) dst(%arg9 : memref<4x2048xf32, #tpu.memory_space<vmem>>)
      %gt3A_155 = arith.constant 0 : i32
      %gt3A_156 = arith.cmpi sgt, %scan3A_117, %gt3A_155 : i32
      %convert_element_type3A_157 = arith.extui %gt3A_156 : i1 to i32
      %cond3A_158 = arith.constant 0 : i32
      %cond3A_159 = arith.cmpi ne, %convert_element_type3A_157, %cond3A_158 : i32
      scf.if %cond3A_159 {
        %sub3A = arith.constant 4 : i32
        %sub3A_237 = arith.subi %add3A_147, %sub3A : i32
        %mul3A_238 = arith.constant 4 : i32
        %mul3A_239 = arith.muli %sub3A_237, %mul3A_238 : i32
        %add3A_240 = arith.addi %mul3A_2, %mul3A_239 : i32
        %dma_wait3A_241 = arith.constant 0 : i32
        %dma_wait3A_242 = tpu.memref_slice %arg4[%add3A_240, %dma_wait3A_241] : memref<8192x2048xf32, #tpu.memory_space<hbm>> -> memref<4x2048xf32, #tpu.memory_space<hbm>>
        %dma_wait3A_243 = arith.constant 0 : i32
        %dma_wait3A_244 = tpu.memref_slice %arg4[%add3A_240, %dma_wait3A_243] : memref<8192x2048xf32, #tpu.memory_space<hbm>> -> memref<4x2048xf32, #tpu.memory_space<hbm>>
        tpu.wait_dma2 semaphore(%arg21 : memref<!tpu.dma_semaphore, #tpu.memory_space<semaphore_mem>>) src(%arg13 : memref<4x2048xf32, #tpu.memory_space<vmem>>) dst(%dma_wait3A_244 : memref<4x2048xf32, #tpu.memory_space<hbm>>)
      } else {
      }
      %parallel_loop3A_160 = arith.constant 0 : i32
      %parallel_loop3A_161 = arith.constant 128 : i32
      %parallel_loop3A_162 = arith.constant 1 : i32
      scf.for %parallel_loop3A_237 = %parallel_loop3A_160 to %parallel_loop3A_161 step %parallel_loop3A_162  : i32 {
        %parallel_loop3A_238 = arith.constant 16 : i32
        %parallel_loop3A_239 = arith.muli %parallel_loop3A_237, %parallel_loop3A_238 : i32
        %parallel_loop3A_240 = arith.index_cast %parallel_loop3A_239 : i32 to index
        %parallel_loop3A_241 = tpu.vector_load %arg6[%parallel_loop3A_240] {strides = array<i32>} : memref<2048xi32, #tpu.memory_space<vmem>>, vector<16xi32>,
        %parallel_loop3A_242 = arith.constant 0 : i32
        %parallel_loop3A_243 = vector.broadcast %parallel_loop3A_242 : i32 to vector<16xi32>
        %parallel_loop3A_244 = tpu.vector_load_idx %arg9[%parallel_loop3A_243, %parallel_loop3A_241] : memref<4x2048xf32, #tpu.memory_space<vmem>>[vector<16xi32>, vector<16xi32>], vector<16xf32>,
        %parallel_loop3A_245 = arith.constant 16 : i32
        %parallel_loop3A_246 = arith.muli %parallel_loop3A_237, %parallel_loop3A_245 : i32
        %parallel_loop3A_247 = arith.constant 0 : i32
        %parallel_loop3A_248 = arith.index_cast %parallel_loop3A_247 : i32 to index
        %parallel_loop3A_249 = arith.index_cast %parallel_loop3A_246 : i32 to index
        %parallel_loop3A_250 = tpu.vector_load %arg13[%parallel_loop3A_248, %parallel_loop3A_249] {strides = array<i32>} : memref<4x2048xf32, #tpu.memory_space<vmem>>, vector<16xf32>,
        tpu.vector_store %arg13[%parallel_loop3A_248, %parallel_loop3A_249], %parallel_loop3A_244 {strides = array<i32>} : memref<4x2048xf32, #tpu.memory_space<vmem>>, vector<16xf32>,
        %parallel_loop3A_251 = arith.constant 1 : i32
        %parallel_loop3A_252 = vector.broadcast %parallel_loop3A_251 : i32 to vector<16xi32>
        %parallel_loop3A_253 = tpu.vector_load_idx %arg9[%parallel_loop3A_252, %parallel_loop3A_241] : memref<4x2048xf32, #tpu.memory_space<vmem>>[vector<16xi32>, vector<16xi32>], vector<16xf32>,
        %parallel_loop3A_254 = arith.constant 16 : i32
        %parallel_loop3A_255 = arith.muli %parallel_loop3A_237, %parallel_loop3A_254 : i32
        %parallel_loop3A_256 = arith.constant 1 : i32
        %parallel_loop3A_257 = arith.index_cast %parallel_loop3A_256 : i32 to index
        %parallel_loop3A_258 = arith.index_cast %parallel_loop3A_255 : i32 to index
        %parallel_loop3A_259 = tpu.vector_load %arg13[%parallel_loop3A_257, %parallel_loop3A_258] {strides = array<i32>} : memref<4x2048xf32, #tpu.memory_space<vmem>>, vector<16xf32>,
        tpu.vector_store %arg13[%parallel_loop3A_257, %parallel_loop3A_258], %parallel_loop3A_253 {strides = array<i32>} : memref<4x2048xf32, #tpu.memory_space<vmem>>, vector<16xf32>,
        %parallel_loop3A_260 = arith.constant 2 : i32
        %parallel_loop3A_261 = vector.broadcast %parallel_loop3A_260 : i32 to vector<16xi32>
        %parallel_loop3A_262 = tpu.vector_load_idx %arg9[%parallel_loop3A_261, %parallel_loop3A_241] : memref<4x2048xf32, #tpu.memory_space<vmem>>[vector<16xi32>, vector<16xi32>], vector<16xf32>,
        %parallel_loop3A_263 = arith.constant 16 : i32
        %parallel_loop3A_264 = arith.muli %parallel_loop3A_237, %parallel_loop3A_263 : i32
        %parallel_loop3A_265 = arith.constant 2 : i32
        %parallel_loop3A_266 = arith.index_cast %parallel_loop3A_265 : i32 to index
        %parallel_loop3A_267 = arith.index_cast %parallel_loop3A_264 : i32 to index
        %parallel_loop3A_268 = tpu.vector_load %arg13[%parallel_loop3A_266, %parallel_loop3A_267] {strides = array<i32>} : memref<4x2048xf32, #tpu.memory_space<vmem>>, vector<16xf32>,
        tpu.vector_store %arg13[%parallel_loop3A_266, %parallel_loop3A_267], %parallel_loop3A_262 {strides = array<i32>} : memref<4x2048xf32, #tpu.memory_space<vmem>>, vector<16xf32>,
        %parallel_loop3A_269 = arith.constant 3 : i32
        %parallel_loop3A_270 = vector.broadcast %parallel_loop3A_269 : i32 to vector<16xi32>
        %parallel_loop3A_271 = tpu.vector_load_idx %arg9[%parallel_loop3A_270, %parallel_loop3A_241] : memref<4x2048xf32, #tpu.memory_space<vmem>>[vector<16xi32>, vector<16xi32>], vector<16xf32>,
        %parallel_loop3A_272 = arith.constant 16 : i32
        %parallel_loop3A_273 = arith.muli %parallel_loop3A_237, %parallel_loop3A_272 : i32
        %parallel_loop3A_274 = arith.constant 3 : i32
        %parallel_loop3A_275 = arith.index_cast %parallel_loop3A_274 : i32 to index
        %parallel_loop3A_276 = arith.index_cast %parallel_loop3A_273 : i32 to index
        %parallel_loop3A_277 = tpu.vector_load %arg13[%parallel_loop3A_275, %parallel_loop3A_276] {strides = array<i32>} : memref<4x2048xf32, #tpu.memory_space<vmem>>, vector<16xf32>,
        tpu.vector_store %arg13[%parallel_loop3A_275, %parallel_loop3A_276], %parallel_loop3A_271 {strides = array<i32>} : memref<4x2048xf32, #tpu.memory_space<vmem>>, vector<16xf32>,
      } {sc.loop_unroll_factor = 4 : i64, sc.parallel_access}
      %mul3A_163 = arith.constant 4 : i32
      %mul3A_164 = arith.muli %add3A_147, %mul3A_163 : i32
      %add3A_165 = arith.addi %mul3A_2, %mul3A_164 : i32
      %dma_start3A_166 = arith.constant 0 : i32
      %dma_start3A_167 = tpu.memref_slice %arg4[%add3A_165, %dma_start3A_166] : memref<8192x2048xf32, #tpu.memory_space<hbm>> -> memref<4x2048xf32, #tpu.memory_space<hbm>>
      %dma_start3A_168 = arith.constant 0 : i32
      %dma_start3A_169 = tpu.memref_slice %arg4[%add3A_165, %dma_start3A_168] : memref<8192x2048xf32, #tpu.memory_space<hbm>> -> memref<4x2048xf32, #tpu.memory_space<hbm>>
      tpu.enqueue_dma source(%arg13 : memref<4x2048xf32, #tpu.memory_space<vmem>>) target(%dma_start3A_169 : memref<4x2048xf32, #tpu.memory_space<hbm>>) target_semaphore(%arg21 : memref<!tpu.dma_semaphore, #tpu.memory_space<semaphore_mem>>)
      %lt3A_170 = arith.constant 15 : i32
      %lt3A_171 = arith.cmpi slt, %scan3A_117, %lt3A_170 : i32
      %convert_element_type3A_172 = arith.extui %lt3A_171 : i1 to i32
      %cond3A_173 = arith.constant 0 : i32
      %cond3A_174 = arith.cmpi ne, %convert_element_type3A_172, %cond3A_173 : i32
      scf.if %cond3A_174 {
        %add3A_237 = arith.constant 4 : i32
        %add3A_238 = arith.addi %add3A_147, %add3A_237 : i32
        %mul3A_239 = arith.constant 4 : i32
        %mul3A_240 = arith.muli %add3A_238, %mul3A_239 : i32
        %add3A_241 = arith.addi %mul3A_2, %mul3A_240 : i32
        %dma_start3A_242 = arith.constant 0 : i32
        %dma_start3A_243 = tpu.memref_slice %arg2[%add3A_241, %dma_start3A_242] : memref<8192x2048xf32, #tpu.memory_space<hbm>> -> memref<4x2048xf32, #tpu.memory_space<hbm>>
        %dma_start3A_244 = arith.constant 0 : i32
        %dma_start3A_245 = tpu.memref_slice %arg2[%add3A_241, %dma_start3A_244] : memref<8192x2048xf32, #tpu.memory_space<hbm>> -> memref<4x2048xf32, #tpu.memory_space<hbm>>
        tpu.enqueue_dma source(%dma_start3A_245 : memref<4x2048xf32, #tpu.memory_space<hbm>>) target(%arg9 : memref<4x2048xf32, #tpu.memory_space<vmem>>) target_semaphore(%arg17 : memref<!tpu.dma_semaphore, #tpu.memory_space<semaphore_mem>>)
      } else {
      }
      %mul3A_175 = arith.constant 4 : i32
      %mul3A_176 = arith.muli %scan3A_117, %mul3A_175 : i32
      %add3A_177 = arith.constant 2 : i32
      %add3A_178 = arith.addi %mul3A_176, %add3A_177 : i32
      %mul3A_179 = arith.constant 4 : i32
      %mul3A_180 = arith.muli %add3A_178, %mul3A_179 : i32
      %add3A_181 = arith.addi %mul3A_2, %mul3A_180 : i32
      %dma_wait3A_182 = arith.constant 0 : i32
      %dma_wait3A_183 = tpu.memref_slice %arg2[%add3A_181, %dma_wait3A_182] : memref<8192x2048xf32, #tpu.memory_space<hbm>> -> memref<4x2048xf32, #tpu.memory_space<hbm>>
      %dma_wait3A_184 = arith.constant 0 : i32
      %dma_wait3A_185 = tpu.memref_slice %arg2[%add3A_181, %dma_wait3A_184] : memref<8192x2048xf32, #tpu.memory_space<hbm>> -> memref<4x2048xf32, #tpu.memory_space<hbm>>
      tpu.wait_dma2 semaphore(%arg18 : memref<!tpu.dma_semaphore, #tpu.memory_space<semaphore_mem>>) src(%dma_wait3A_185 : memref<4x2048xf32, #tpu.memory_space<hbm>>) dst(%arg10 : memref<4x2048xf32, #tpu.memory_space<vmem>>)
      %gt3A_186 = arith.constant 0 : i32
      %gt3A_187 = arith.cmpi sgt, %scan3A_117, %gt3A_186 : i32
      %convert_element_type3A_188 = arith.extui %gt3A_187 : i1 to i32
      %cond3A_189 = arith.constant 0 : i32
      %cond3A_190 = arith.cmpi ne, %convert_element_type3A_188, %cond3A_189 : i32
      scf.if %cond3A_190 {
        %sub3A = arith.constant 4 : i32
        %sub3A_237 = arith.subi %add3A_178, %sub3A : i32
        %mul3A_238 = arith.constant 4 : i32
        %mul3A_239 = arith.muli %sub3A_237, %mul3A_238 : i32
        %add3A_240 = arith.addi %mul3A_2, %mul3A_239 : i32
        %dma_wait3A_241 = arith.constant 0 : i32
        %dma_wait3A_242 = tpu.memref_slice %arg4[%add3A_240, %dma_wait3A_241] : memref<8192x2048xf32, #tpu.memory_space<hbm>> -> memref<4x2048xf32, #tpu.memory_space<hbm>>
        %dma_wait3A_243 = arith.constant 0 : i32
        %dma_wait3A_244 = tpu.memref_slice %arg4[%add3A_240, %dma_wait3A_243] : memref<8192x2048xf32, #tpu.memory_space<hbm>> -> memref<4x2048xf32, #tpu.memory_space<hbm>>
        tpu.wait_dma2 semaphore(%arg22 : memref<!tpu.dma_semaphore, #tpu.memory_space<semaphore_mem>>) src(%arg14 : memref<4x2048xf32, #tpu.memory_space<vmem>>) dst(%dma_wait3A_244 : memref<4x2048xf32, #tpu.memory_space<hbm>>)
      } else {
      }
      %parallel_loop3A_191 = arith.constant 0 : i32
      %parallel_loop3A_192 = arith.constant 128 : i32
      %parallel_loop3A_193 = arith.constant 1 : i32
      scf.for %parallel_loop3A_237 = %parallel_loop3A_191 to %parallel_loop3A_192 step %parallel_loop3A_193  : i32 {
        %parallel_loop3A_238 = arith.constant 16 : i32
        %parallel_loop3A_239 = arith.muli %parallel_loop3A_237, %parallel_loop3A_238 : i32
        %parallel_loop3A_240 = arith.index_cast %parallel_loop3A_239 : i32 to index
        %parallel_loop3A_241 = tpu.vector_load %arg6[%parallel_loop3A_240] {strides = array<i32>} : memref<2048xi32, #tpu.memory_space<vmem>>, vector<16xi32>,
        %parallel_loop3A_242 = arith.constant 0 : i32
        %parallel_loop3A_243 = vector.broadcast %parallel_loop3A_242 : i32 to vector<16xi32>
        %parallel_loop3A_244 = tpu.vector_load_idx %arg10[%parallel_loop3A_243, %parallel_loop3A_241] : memref<4x2048xf32, #tpu.memory_space<vmem>>[vector<16xi32>, vector<16xi32>], vector<16xf32>,
        %parallel_loop3A_245 = arith.constant 16 : i32
        %parallel_loop3A_246 = arith.muli %parallel_loop3A_237, %parallel_loop3A_245 : i32
        %parallel_loop3A_247 = arith.constant 0 : i32
        %parallel_loop3A_248 = arith.index_cast %parallel_loop3A_247 : i32 to index
        %parallel_loop3A_249 = arith.index_cast %parallel_loop3A_246 : i32 to index
        %parallel_loop3A_250 = tpu.vector_load %arg14[%parallel_loop3A_248, %parallel_loop3A_249] {strides = array<i32>} : memref<4x2048xf32, #tpu.memory_space<vmem>>, vector<16xf32>,
        tpu.vector_store %arg14[%parallel_loop3A_248, %parallel_loop3A_249], %parallel_loop3A_244 {strides = array<i32>} : memref<4x2048xf32, #tpu.memory_space<vmem>>, vector<16xf32>,
        %parallel_loop3A_251 = arith.constant 1 : i32
        %parallel_loop3A_252 = vector.broadcast %parallel_loop3A_251 : i32 to vector<16xi32>
        %parallel_loop3A_253 = tpu.vector_load_idx %arg10[%parallel_loop3A_252, %parallel_loop3A_241] : memref<4x2048xf32, #tpu.memory_space<vmem>>[vector<16xi32>, vector<16xi32>], vector<16xf32>,
        %parallel_loop3A_254 = arith.constant 16 : i32
        %parallel_loop3A_255 = arith.muli %parallel_loop3A_237, %parallel_loop3A_254 : i32
        %parallel_loop3A_256 = arith.constant 1 : i32
        %parallel_loop3A_257 = arith.index_cast %parallel_loop3A_256 : i32 to index
        %parallel_loop3A_258 = arith.index_cast %parallel_loop3A_255 : i32 to index
        %parallel_loop3A_259 = tpu.vector_load %arg14[%parallel_loop3A_257, %parallel_loop3A_258] {strides = array<i32>} : memref<4x2048xf32, #tpu.memory_space<vmem>>, vector<16xf32>,
        tpu.vector_store %arg14[%parallel_loop3A_257, %parallel_loop3A_258], %parallel_loop3A_253 {strides = array<i32>} : memref<4x2048xf32, #tpu.memory_space<vmem>>, vector<16xf32>,
        %parallel_loop3A_260 = arith.constant 2 : i32
        %parallel_loop3A_261 = vector.broadcast %parallel_loop3A_260 : i32 to vector<16xi32>
        %parallel_loop3A_262 = tpu.vector_load_idx %arg10[%parallel_loop3A_261, %parallel_loop3A_241] : memref<4x2048xf32, #tpu.memory_space<vmem>>[vector<16xi32>, vector<16xi32>], vector<16xf32>,
        %parallel_loop3A_263 = arith.constant 16 : i32
        %parallel_loop3A_264 = arith.muli %parallel_loop3A_237, %parallel_loop3A_263 : i32
        %parallel_loop3A_265 = arith.constant 2 : i32
        %parallel_loop3A_266 = arith.index_cast %parallel_loop3A_265 : i32 to index
        %parallel_loop3A_267 = arith.index_cast %parallel_loop3A_264 : i32 to index
        %parallel_loop3A_268 = tpu.vector_load %arg14[%parallel_loop3A_266, %parallel_loop3A_267] {strides = array<i32>} : memref<4x2048xf32, #tpu.memory_space<vmem>>, vector<16xf32>,
        tpu.vector_store %arg14[%parallel_loop3A_266, %parallel_loop3A_267], %parallel_loop3A_262 {strides = array<i32>} : memref<4x2048xf32, #tpu.memory_space<vmem>>, vector<16xf32>,
        %parallel_loop3A_269 = arith.constant 3 : i32
        %parallel_loop3A_270 = vector.broadcast %parallel_loop3A_269 : i32 to vector<16xi32>
        %parallel_loop3A_271 = tpu.vector_load_idx %arg10[%parallel_loop3A_270, %parallel_loop3A_241] : memref<4x2048xf32, #tpu.memory_space<vmem>>[vector<16xi32>, vector<16xi32>], vector<16xf32>,
        %parallel_loop3A_272 = arith.constant 16 : i32
        %parallel_loop3A_273 = arith.muli %parallel_loop3A_237, %parallel_loop3A_272 : i32
        %parallel_loop3A_274 = arith.constant 3 : i32
        %parallel_loop3A_275 = arith.index_cast %parallel_loop3A_274 : i32 to index
        %parallel_loop3A_276 = arith.index_cast %parallel_loop3A_273 : i32 to index
        %parallel_loop3A_277 = tpu.vector_load %arg14[%parallel_loop3A_275, %parallel_loop3A_276] {strides = array<i32>} : memref<4x2048xf32, #tpu.memory_space<vmem>>, vector<16xf32>,
        tpu.vector_store %arg14[%parallel_loop3A_275, %parallel_loop3A_276], %parallel_loop3A_271 {strides = array<i32>} : memref<4x2048xf32, #tpu.memory_space<vmem>>, vector<16xf32>,
      } {sc.loop_unroll_factor = 4 : i64, sc.parallel_access}
      %mul3A_194 = arith.constant 4 : i32
      %mul3A_195 = arith.muli %add3A_178, %mul3A_194 : i32
      %add3A_196 = arith.addi %mul3A_2, %mul3A_195 : i32
      %dma_start3A_197 = arith.constant 0 : i32
      %dma_start3A_198 = tpu.memref_slice %arg4[%add3A_196, %dma_start3A_197] : memref<8192x2048xf32, #tpu.memory_space<hbm>> -> memref<4x2048xf32, #tpu.memory_space<hbm>>
      %dma_start3A_199 = arith.constant 0 : i32
      %dma_start3A_200 = tpu.memref_slice %arg4[%add3A_196, %dma_start3A_199] : memref<8192x2048xf32, #tpu.memory_space<hbm>> -> memref<4x2048xf32, #tpu.memory_space<hbm>>
      tpu.enqueue_dma source(%arg14 : memref<4x2048xf32, #tpu.memory_space<vmem>>) target(%dma_start3A_200 : memref<4x2048xf32, #tpu.memory_space<hbm>>) target_semaphore(%arg22 : memref<!tpu.dma_semaphore, #tpu.memory_space<semaphore_mem>>)
      %lt3A_201 = arith.constant 15 : i32
      %lt3A_202 = arith.cmpi slt, %scan3A_117, %lt3A_201 : i32
      %convert_element_type3A_203 = arith.extui %lt3A_202 : i1 to i32
      %cond3A_204 = arith.constant 0 : i32
      %cond3A_205 = arith.cmpi ne, %convert_element_type3A_203, %cond3A_204 : i32
      scf.if %cond3A_205 {
        %add3A_237 = arith.constant 4 : i32
        %add3A_238 = arith.addi %add3A_178, %add3A_237 : i32
        %mul3A_239 = arith.constant 4 : i32
        %mul3A_240 = arith.muli %add3A_238, %mul3A_239 : i32
        %add3A_241 = arith.addi %mul3A_2, %mul3A_240 : i32
        %dma_start3A_242 = arith.constant 0 : i32
        %dma_start3A_243 = tpu.memref_slice %arg2[%add3A_241, %dma_start3A_242] : memref<8192x2048xf32, #tpu.memory_space<hbm>> -> memref<4x2048xf32, #tpu.memory_space<hbm>>
        %dma_start3A_244 = arith.constant 0 : i32
        %dma_start3A_245 = tpu.memref_slice %arg2[%add3A_241, %dma_start3A_244] : memref<8192x2048xf32, #tpu.memory_space<hbm>> -> memref<4x2048xf32, #tpu.memory_space<hbm>>
        tpu.enqueue_dma source(%dma_start3A_245 : memref<4x2048xf32, #tpu.memory_space<hbm>>) target(%arg10 : memref<4x2048xf32, #tpu.memory_space<vmem>>) target_semaphore(%arg18 : memref<!tpu.dma_semaphore, #tpu.memory_space<semaphore_mem>>)
      } else {
      }
      %mul3A_206 = arith.constant 4 : i32
      %mul3A_207 = arith.muli %scan3A_117, %mul3A_206 : i32
      %add3A_208 = arith.constant 3 : i32
      %add3A_209 = arith.addi %mul3A_207, %add3A_208 : i32
      %mul3A_210 = arith.constant 4 : i32
      %mul3A_211 = arith.muli %add3A_209, %mul3A_210 : i32
      %add3A_212 = arith.addi %mul3A_2, %mul3A_211 : i32
      %dma_wait3A_213 = arith.constant 0 : i32
      %dma_wait3A_214 = tpu.memref_slice %arg2[%add3A_212, %dma_wait3A_213] : memref<8192x2048xf32, #tpu.memory_space<hbm>> -> memref<4x2048xf32, #tpu.memory_space<hbm>>
      %dma_wait3A_215 = arith.constant 0 : i32
      %dma_wait3A_216 = tpu.memref_slice %arg2[%add3A_212, %dma_wait3A_215] : memref<8192x2048xf32, #tpu.memory_space<hbm>> -> memref<4x2048xf32, #tpu.memory_space<hbm>>
      tpu.wait_dma2 semaphore(%arg19 : memref<!tpu.dma_semaphore, #tpu.memory_space<semaphore_mem>>) src(%dma_wait3A_216 : memref<4x2048xf32, #tpu.memory_space<hbm>>) dst(%arg11 : memref<4x2048xf32, #tpu.memory_space<vmem>>)
      %gt3A_217 = arith.constant 0 : i32
      %gt3A_218 = arith.cmpi sgt, %scan3A_117, %gt3A_217 : i32
      %convert_element_type3A_219 = arith.extui %gt3A_218 : i1 to i32
      %cond3A_220 = arith.constant 0 : i32
      %cond3A_221 = arith.cmpi ne, %convert_element_type3A_219, %cond3A_220 : i32
      scf.if %cond3A_221 {
        %sub3A = arith.constant 4 : i32
        %sub3A_237 = arith.subi %add3A_209, %sub3A : i32
        %mul3A_238 = arith.constant 4 : i32
        %mul3A_239 = arith.muli %sub3A_237, %mul3A_238 : i32
        %add3A_240 = arith.addi %mul3A_2, %mul3A_239 : i32
        %dma_wait3A_241 = arith.constant 0 : i32
        %dma_wait3A_242 = tpu.memref_slice %arg4[%add3A_240, %dma_wait3A_241] : memref<8192x2048xf32, #tpu.memory_space<hbm>> -> memref<4x2048xf32, #tpu.memory_space<hbm>>
        %dma_wait3A_243 = arith.constant 0 : i32
        %dma_wait3A_244 = tpu.memref_slice %arg4[%add3A_240, %dma_wait3A_243] : memref<8192x2048xf32, #tpu.memory_space<hbm>> -> memref<4x2048xf32, #tpu.memory_space<hbm>>
        tpu.wait_dma2 semaphore(%arg23 : memref<!tpu.dma_semaphore, #tpu.memory_space<semaphore_mem>>) src(%arg15 : memref<4x2048xf32, #tpu.memory_space<vmem>>) dst(%dma_wait3A_244 : memref<4x2048xf32, #tpu.memory_space<hbm>>)
      } else {
      }
      %parallel_loop3A_222 = arith.constant 0 : i32
      %parallel_loop3A_223 = arith.constant 128 : i32
      %parallel_loop3A_224 = arith.constant 1 : i32
      scf.for %parallel_loop3A_237 = %parallel_loop3A_222 to %parallel_loop3A_223 step %parallel_loop3A_224  : i32 {
        %parallel_loop3A_238 = arith.constant 16 : i32
        %parallel_loop3A_239 = arith.muli %parallel_loop3A_237, %parallel_loop3A_238 : i32
        %parallel_loop3A_240 = arith.index_cast %parallel_loop3A_239 : i32 to index
        %parallel_loop3A_241 = tpu.vector_load %arg6[%parallel_loop3A_240] {strides = array<i32>} : memref<2048xi32, #tpu.memory_space<vmem>>, vector<16xi32>,
        %parallel_loop3A_242 = arith.constant 0 : i32
        %parallel_loop3A_243 = vector.broadcast %parallel_loop3A_242 : i32 to vector<16xi32>
        %parallel_loop3A_244 = tpu.vector_load_idx %arg11[%parallel_loop3A_243, %parallel_loop3A_241] : memref<4x2048xf32, #tpu.memory_space<vmem>>[vector<16xi32>, vector<16xi32>], vector<16xf32>,
        %parallel_loop3A_245 = arith.constant 16 : i32
        %parallel_loop3A_246 = arith.muli %parallel_loop3A_237, %parallel_loop3A_245 : i32
        %parallel_loop3A_247 = arith.constant 0 : i32
        %parallel_loop3A_248 = arith.index_cast %parallel_loop3A_247 : i32 to index
        %parallel_loop3A_249 = arith.index_cast %parallel_loop3A_246 : i32 to index
        %parallel_loop3A_250 = tpu.vector_load %arg15[%parallel_loop3A_248, %parallel_loop3A_249] {strides = array<i32>} : memref<4x2048xf32, #tpu.memory_space<vmem>>, vector<16xf32>,
        tpu.vector_store %arg15[%parallel_loop3A_248, %parallel_loop3A_249], %parallel_loop3A_244 {strides = array<i32>} : memref<4x2048xf32, #tpu.memory_space<vmem>>, vector<16xf32>,
        %parallel_loop3A_251 = arith.constant 1 : i32
        %parallel_loop3A_252 = vector.broadcast %parallel_loop3A_251 : i32 to vector<16xi32>
        %parallel_loop3A_253 = tpu.vector_load_idx %arg11[%parallel_loop3A_252, %parallel_loop3A_241] : memref<4x2048xf32, #tpu.memory_space<vmem>>[vector<16xi32>, vector<16xi32>], vector<16xf32>,
        %parallel_loop3A_254 = arith.constant 16 : i32
        %parallel_loop3A_255 = arith.muli %parallel_loop3A_237, %parallel_loop3A_254 : i32
        %parallel_loop3A_256 = arith.constant 1 : i32
        %parallel_loop3A_257 = arith.index_cast %parallel_loop3A_256 : i32 to index
        %parallel_loop3A_258 = arith.index_cast %parallel_loop3A_255 : i32 to index
        %parallel_loop3A_259 = tpu.vector_load %arg15[%parallel_loop3A_257, %parallel_loop3A_258] {strides = array<i32>} : memref<4x2048xf32, #tpu.memory_space<vmem>>, vector<16xf32>,
        tpu.vector_store %arg15[%parallel_loop3A_257, %parallel_loop3A_258], %parallel_loop3A_253 {strides = array<i32>} : memref<4x2048xf32, #tpu.memory_space<vmem>>, vector<16xf32>,
        %parallel_loop3A_260 = arith.constant 2 : i32
        %parallel_loop3A_261 = vector.broadcast %parallel_loop3A_260 : i32 to vector<16xi32>
        %parallel_loop3A_262 = tpu.vector_load_idx %arg11[%parallel_loop3A_261, %parallel_loop3A_241] : memref<4x2048xf32, #tpu.memory_space<vmem>>[vector<16xi32>, vector<16xi32>], vector<16xf32>,
        %parallel_loop3A_263 = arith.constant 16 : i32
        %parallel_loop3A_264 = arith.muli %parallel_loop3A_237, %parallel_loop3A_263 : i32
        %parallel_loop3A_265 = arith.constant 2 : i32
        %parallel_loop3A_266 = arith.index_cast %parallel_loop3A_265 : i32 to index
        %parallel_loop3A_267 = arith.index_cast %parallel_loop3A_264 : i32 to index
        %parallel_loop3A_268 = tpu.vector_load %arg15[%parallel_loop3A_266, %parallel_loop3A_267] {strides = array<i32>} : memref<4x2048xf32, #tpu.memory_space<vmem>>, vector<16xf32>,
        tpu.vector_store %arg15[%parallel_loop3A_266, %parallel_loop3A_267], %parallel_loop3A_262 {strides = array<i32>} : memref<4x2048xf32, #tpu.memory_space<vmem>>, vector<16xf32>,
        %parallel_loop3A_269 = arith.constant 3 : i32
        %parallel_loop3A_270 = vector.broadcast %parallel_loop3A_269 : i32 to vector<16xi32>
        %parallel_loop3A_271 = tpu.vector_load_idx %arg11[%parallel_loop3A_270, %parallel_loop3A_241] : memref<4x2048xf32, #tpu.memory_space<vmem>>[vector<16xi32>, vector<16xi32>], vector<16xf32>,
        %parallel_loop3A_272 = arith.constant 16 : i32
        %parallel_loop3A_273 = arith.muli %parallel_loop3A_237, %parallel_loop3A_272 : i32
        %parallel_loop3A_274 = arith.constant 3 : i32
        %parallel_loop3A_275 = arith.index_cast %parallel_loop3A_274 : i32 to index
        %parallel_loop3A_276 = arith.index_cast %parallel_loop3A_273 : i32 to index
        %parallel_loop3A_277 = tpu.vector_load %arg15[%parallel_loop3A_275, %parallel_loop3A_276] {strides = array<i32>} : memref<4x2048xf32, #tpu.memory_space<vmem>>, vector<16xf32>,
        tpu.vector_store %arg15[%parallel_loop3A_275, %parallel_loop3A_276], %parallel_loop3A_271 {strides = array<i32>} : memref<4x2048xf32, #tpu.memory_space<vmem>>, vector<16xf32>,
      } {sc.loop_unroll_factor = 4 : i64, sc.parallel_access}
      %mul3A_225 = arith.constant 4 : i32
      %mul3A_226 = arith.muli %add3A_209, %mul3A_225 : i32
      %add3A_227 = arith.addi %mul3A_2, %mul3A_226 : i32
      %dma_start3A_228 = arith.constant 0 : i32
      %dma_start3A_229 = tpu.memref_slice %arg4[%add3A_227, %dma_start3A_228] : memref<8192x2048xf32, #tpu.memory_space<hbm>> -> memref<4x2048xf32, #tpu.memory_space<hbm>>
      %dma_start3A_230 = arith.constant 0 : i32
      %dma_start3A_231 = tpu.memref_slice %arg4[%add3A_227, %dma_start3A_230] : memref<8192x2048xf32, #tpu.memory_space<hbm>> -> memref<4x2048xf32, #tpu.memory_space<hbm>>
      tpu.enqueue_dma source(%arg15 : memref<4x2048xf32, #tpu.memory_space<vmem>>) target(%dma_start3A_231 : memref<4x2048xf32, #tpu.memory_space<hbm>>) target_semaphore(%arg23 : memref<!tpu.dma_semaphore, #tpu.memory_space<semaphore_mem>>)
      %lt3A_232 = arith.constant 15 : i32
      %lt3A_233 = arith.cmpi slt, %scan3A_117, %lt3A_232 : i32
      %convert_element_type3A_234 = arith.extui %lt3A_233 : i1 to i32
      %cond3A_235 = arith.constant 0 : i32
      %cond3A_236 = arith.cmpi ne, %convert_element_type3A_234, %cond3A_235 : i32
      scf.if %cond3A_236 {
        %add3A_237 = arith.constant 4 : i32
        %add3A_238 = arith.addi %add3A_209, %add3A_237 : i32
        %mul3A_239 = arith.constant 4 : i32
        %mul3A_240 = arith.muli %add3A_238, %mul3A_239 : i32
        %add3A_241 = arith.addi %mul3A_2, %mul3A_240 : i32
        %dma_start3A_242 = arith.constant 0 : i32
        %dma_start3A_243 = tpu.memref_slice %arg2[%add3A_241, %dma_start3A_242] : memref<8192x2048xf32, #tpu.memory_space<hbm>> -> memref<4x2048xf32, #tpu.memory_space<hbm>>
        %dma_start3A_244 = arith.constant 0 : i32
        %dma_start3A_245 = tpu.memref_slice %arg2[%add3A_241, %dma_start3A_244] : memref<8192x2048xf32, #tpu.memory_space<hbm>> -> memref<4x2048xf32, #tpu.memory_space<hbm>>
        tpu.enqueue_dma source(%dma_start3A_245 : memref<4x2048xf32, #tpu.memory_space<hbm>>) target(%arg11 : memref<4x2048xf32, #tpu.memory_space<vmem>>) target_semaphore(%arg19 : memref<!tpu.dma_semaphore, #tpu.memory_space<semaphore_mem>>)
      } else {
      }
    }
    %scan3A_93 = arith.constant 16 : i32
    %add3A_94 = arith.constant 240 : i32
    %add3A_95 = arith.addi %mul3A_2, %add3A_94 : i32
    %dma_wait3A = arith.constant 0 : i32
    %dma_wait3A_96 = tpu.memref_slice %arg4[%add3A_95, %dma_wait3A] : memref<8192x2048xf32, #tpu.memory_space<hbm>> -> memref<4x2048xf32, #tpu.memory_space<hbm>>
    %dma_wait3A_97 = arith.constant 0 : i32
    %dma_wait3A_98 = tpu.memref_slice %arg4[%add3A_95, %dma_wait3A_97] : memref<8192x2048xf32, #tpu.memory_space<hbm>> -> memref<4x2048xf32, #tpu.memory_space<hbm>>
    tpu.wait_dma2 semaphore(%arg20 : memref<!tpu.dma_semaphore, #tpu.memory_space<semaphore_mem>>) src(%arg12 : memref<4x2048xf32, #tpu.memory_space<vmem>>) dst(%dma_wait3A_98 : memref<4x2048xf32, #tpu.memory_space<hbm>>)
    %add3A_99 = arith.constant 244 : i32
    %add3A_100 = arith.addi %mul3A_2, %add3A_99 : i32
    %dma_wait3A_101 = arith.constant 0 : i32
    %dma_wait3A_102 = tpu.memref_slice %arg4[%add3A_100, %dma_wait3A_101] : memref<8192x2048xf32, #tpu.memory_space<hbm>> -> memref<4x2048xf32, #tpu.memory_space<hbm>>
    %dma_wait3A_103 = arith.constant 0 : i32
    %dma_wait3A_104 = tpu.memref_slice %arg4[%add3A_100, %dma_wait3A_103] : memref<8192x2048xf32, #tpu.memory_space<hbm>> -> memref<4x2048xf32, #tpu.memory_space<hbm>>
    tpu.wait_dma2 semaphore(%arg21 : memref<!tpu.dma_semaphore, #tpu.memory_space<semaphore_mem>>) src(%arg13 : memref<4x2048xf32, #tpu.memory_space<vmem>>) dst(%dma_wait3A_104 : memref<4x2048xf32, #tpu.memory_space<hbm>>)
    %add3A_105 = arith.constant 248 : i32
    %add3A_106 = arith.addi %mul3A_2, %add3A_105 : i32
    %dma_wait3A_107 = arith.constant 0 : i32
    %dma_wait3A_108 = tpu.memref_slice %arg4[%add3A_106, %dma_wait3A_107] : memref<8192x2048xf32, #tpu.memory_space<hbm>> -> memref<4x2048xf32, #tpu.memory_space<hbm>>
    %dma_wait3A_109 = arith.constant 0 : i32
    %dma_wait3A_110 = tpu.memref_slice %arg4[%add3A_106, %dma_wait3A_109] : memref<8192x2048xf32, #tpu.memory_space<hbm>> -> memref<4x2048xf32, #tpu.memory_space<hbm>>
    tpu.wait_dma2 semaphore(%arg22 : memref<!tpu.dma_semaphore, #tpu.memory_space<semaphore_mem>>) src(%arg14 : memref<4x2048xf32, #tpu.memory_space<vmem>>) dst(%dma_wait3A_110 : memref<4x2048xf32, #tpu.memory_space<hbm>>)
    %add3A_111 = arith.constant 252 : i32
    %add3A_112 = arith.addi %mul3A_2, %add3A_111 : i32
    %dma_wait3A_113 = arith.constant 0 : i32
    %dma_wait3A_114 = tpu.memref_slice %arg4[%add3A_112, %dma_wait3A_113] : memref<8192x2048xf32, #tpu.memory_space<hbm>> -> memref<4x2048xf32, #tpu.memory_space<hbm>>
    %dma_wait3A_115 = arith.constant 0 : i32
    %dma_wait3A_116 = tpu.memref_slice %arg4[%add3A_112, %dma_wait3A_115] : memref<8192x2048xf32, #tpu.memory_space<hbm>> -> memref<4x2048xf32, #tpu.memory_space<hbm>>
    tpu.wait_dma2 semaphore(%arg23 : memref<!tpu.dma_semaphore, #tpu.memory_space<semaphore_mem>>) src(%arg15 : memref<4x2048xf32, #tpu.memory_space<vmem>>) dst(%dma_wait3A_116 : memref<4x2048xf32, #tpu.memory_space<hbm>>)
    return
  }
}

</mosaic_0001>

<sc_bundles>
// kernel: kernel.3.cloned.1.call-start
scs
__scs_entry_jumppad:
0x0: {  	(pc) =	sbr.rel $0x88, $3  }
0x1: {  	(tag) =	ssettag $0x0;
	lr =	simm.s32 $0x1  }
0x2: {  	[smem:$0x3F9F] =	sst lr;
	_ =	strace $0xD0000000  }
0x3: {  	_ = 	snop  }
0x4: {  	_ = 	snop  }
0x5: {  	_ = 	snop  }
0x6: {  	_ = 	snop  }
0x7: {  	_ = 	snop  }
__scs_overlays_trampoline_lowered:
0x8: {  	[smem:$0x3FAE] =	sst s0  }
0x9: {  	[smem:$0x3FAF] =	sst s1  }
0xa: {  	[smem:$0x3FB0] =	sst s2  }
0xb: {  	[smem:$0x3FB1] =	sst s3  }
0xc: {  	[smem:$0x3FB2] =	sst s4  }
0xd: {  	[smem:$0x3FB3] =	sst s5  }
0xe: {  	[smem:$0x3FB4] =	sst s6  }
0xf: {  	[smem:$0x3FB5] =	sst s7  }
0x10: {  	[smem:$0x3FB6] =	sst s8  }
0x11: {  	[smem:$0x3FB7] =	sst s9;
	s0 =	simm.s32 @!p0 $0x0  }
0x12: {  	s1 =	sld [smem:$0x3F9D];
	s0 =	simm.s32 @p0 $0x1  }
0x13: {  	[smem:$0x3FB8] =	sst s0;
	s0 =	simm.s32 @!p1 $0x0  }
0x14: {  	s2 =	sld [smem:$0x3F9C];
	s0 =	simm.s32 @p1 $0x1  }
0x15: {  	[smem:$0x3FB9] =	sst s0;
	s0 =	simm.s32 @!p2 $0x0  }
0x16: {  	s3 =	sld [smem:$0x3FDB];
	s0 =	simm.s32 @p2 $0x1  }
0x17: {  	s4 =	simm.s32 $0x1BF5;
	[smem:$0x3FBB] =	sst s0  }
0x18: {  	s0 =	sld [smem:$0x3F9E];
	_ =	swait.ge [sflag:s4], $0x0  }
0x19: {  	s7 =	sld [smem:$0x3F9F]  }
0x1a: {  	s8 =	sadd.s32 $0xFFFFE003, lr  }
0x1b: {  	s9 =	sadd.s32 $0xFFFFFEF7, lr;
	s5 =	simm.s32 $0xFFFFFFFF;
	p2 =	slt.u32 s8, $0xFFFFF086  }
0x1c: {  	p1 =	slt.u32 s9, $0xF7A;
	s5 =	simm.s32 @!p2 $0x0  }
0x1d: {  	s5 =	simm.s32 @p1 $0x1;
	p0 =	seq.s32 s7, s2  }
0x1e: {  	s7 =	smul.u32 @!p0 $0xF7A, s2;
	p2 =	seq.s32 @!p0 s5, $0x0  }
0x1f: {  	s9 =	smul.u32 $0xF7A, s1;
	s8 =	simm.s32 @!p0 $0x1BF5;
	p2 =	por !p2, p0  }
0x20: {  	[sflag:s8] =	ssyncset.s32 @!p0 $0xFFFFF086;
	s6 =	sadd.s32 @!p0 s3, s7;
	s7 =	simm.s32 @!p0 $0x108  }
0x21: {  	s3 =	sadd.s32 s3, s9;
	s6 =	sadd.s32 @!p0 $0x88, s6;
	s7 =	simm.s32 @p2 $0x1082  }
0x22: {  	[simem:s7], [sflag:s8] =	dma.local @!p0 [hbm:s6], $0xF7A  }
0x23: {  	s9 =	sor.u32 $0xD0000000, s2;
	s6 =	simm.s32 $0x108;
	_ =	swait.ge @!p0 [sflag:s8], $0x0  }
0x24: {  	s3 =	sadd.s32 $0x88, s3;
	s6 =	simm.s32 @!p1 $0x1082;
	[sflag:s4] =	ssyncset.s32 $0xFFFFF086  }
0x25: {  	[simem:s6], [sflag:s4] =	dma.local [hbm:s3], $0xF7A  }
0x26: {  	[smem:$0x3F9F] =	sst s1;
	(tag) =	ssettag s2;
	_ =	strace s9  }
0x27: {  	s1 =	sld [smem:$0x3FAF]  }
0x28: {  	s2 =	sld [smem:$0x3FB0]  }
0x29: {  	s4 =	sld [smem:$0x3FB2]  }
0x2a: {  	p0 =	seq.s32 s5, $0x0;
	s5 =	sld [smem:$0x3FB3]  }
0x2b: {  	s6 =	sld [smem:$0x3FB4]  }
0x2c: {  	s7 =	sld [smem:$0x3FB5]  }
0x2d: {  	s3 =	simm.s32 $0x108;
	s8 =	sld [smem:$0x3FB6]  }
0x2e: {  	s3 =	simm.s32 @!p0 $0x1082;
	s9 =	sld [smem:$0x3FB7]  }
0x2f: {  	lr =	sadd.s32 s0, s3;
	s0 =	sld [smem:$0x3FAE]  }
0x30: {  	s3 =	sld [smem:$0x3FB1]  }
0x31: {  	[smem:$0x3FBA] =	sst s10  }
0x32: {  	s10 =	sld [smem:$0x3FB8];
	_ =	sdelay $0x3  }
0x33: {  	p0 =	seq.s32 s10, $0x1;
	s10 =	sld [smem:$0x3FBA];
	_ =	sdelay $0x3  }
0x34: {  	[smem:$0x3FBA] =	sst s10  }
0x35: {  	s10 =	sld [smem:$0x3FB9];
	_ =	sdelay $0x3  }
0x36: {  	p1 =	seq.s32 s10, $0x1;
	s10 =	sld [smem:$0x3FBA];
	_ =	sdelay $0x3  }
0x37: {  	[smem:$0x3FBA] =	sst s10  }
0x38: {  	s10 =	sld [smem:$0x3FBB]  }
0x39: {  	_ = 	snop;
	(pc) =	sbr.ind lr, $3  }
0x3a: {  	_ = 	snop  }
0x3b: {  	_ = 	snop  }
0x3c: {  	p2 =	seq.s32 s10, $0x1;
	s10 =	sld [smem:$0x3FBA]  }
0x3d: {  	_ =	shalt  }
0x3e: {  	_ =	shalt  }
0x3f: {  	_ =	shalt  }
0x40: {  	_ =	shalt  }
0x41: {  	_ =	shalt  }
0x42: {  	_ =	shalt  }
0x43: {  	_ =	shalt  }
0x44: {  	_ =	shalt  }
0x45: {  	_ =	shalt  }
0x46: {  	_ =	shalt  }
0x47: {  	_ =	shalt  }
0x48: {  	_ =	shalt  }
0x49: {  	_ =	shalt  }
0x4a: {  	_ =	shalt  }
0x4b: {  	_ =	shalt  }
0x4c: {  	_ =	shalt  }
0x4d: {  	_ =	shalt  }
0x4e: {  	_ =	shalt  }
0x4f: {  	_ =	shalt  }
0x50: {  	_ =	shalt  }
0x51: {  	_ =	shalt  }
0x52: {  	_ =	shalt  }
0x53: {  	_ =	shalt  }
0x54: {  	_ =	shalt  }
0x55: {  	_ =	shalt  }
0x56: {  	_ =	shalt  }
0x57: {  	_ =	shalt  }
0x58: {  	_ =	shalt  }
0x59: {  	_ =	shalt  }
0x5a: {  	_ =	shalt  }
0x5b: {  	_ =	shalt  }
0x5c: {  	_ =	shalt  }
0x5d: {  	_ =	shalt  }
0x5e: {  	_ =	shalt  }
0x5f: {  	_ =	shalt  }
0x60: {  	_ =	shalt  }
0x61: {  	_ =	shalt  }
0x62: {  	_ =	shalt  }
0x63: {  	_ =	shalt  }
0x64: {  	_ =	shalt  }
0x65: {  	_ =	shalt  }
0x66: {  	_ =	shalt  }
0x67: {  	_ =	shalt  }
0x68: {  	_ =	shalt  }
0x69: {  	_ =	shalt  }
0x6a: {  	_ =	shalt  }
0x6b: {  	_ =	shalt  }
0x6c: {  	_ =	shalt  }
0x6d: {  	_ =	shalt  }
0x6e: {  	_ =	shalt  }
0x6f: {  	_ =	shalt  }
0x70: {  	_ =	shalt  }
0x71: {  	_ =	shalt  }
0x72: {  	_ =	shalt  }
0x73: {  	_ =	shalt  }
0x74: {  	_ =	shalt  }
0x75: {  	_ =	shalt  }
0x76: {  	_ =	shalt  }
0x77: {  	_ =	shalt  }
0x78: {  	_ =	shalt  }
0x79: {  	_ =	shalt  }
0x7a: {  	_ =	shalt  }
0x7b: {  	_ =	shalt  }
0x7c: {  	_ =	shalt  }
0x7d: {  	_ =	shalt  }
0x7e: {  	_ =	shalt  }
0x7f: {  	_ =	shalt  }
0x80: {  	_ =	shalt  }
0x81: {  	_ =	shalt  }
0x82: {  	_ =	shalt  }
0x83: {  	_ =	shalt  }
0x84: {  	_ =	shalt  }
0x85: {  	_ =	shalt  }
0x86: {  	_ =	shalt  }
0x87: {  	_ =	shalt  }
.Lfunc_end0:
.L_simem_size_0:
called_computation_lowered:
.L_overlay_start_0:
0x88: {  	s2 =	sld [smem:$0x3FD9]  }
0x89: {  	s3 =	sld [smem:$0x3FFE];
	_ =	sdelay $0x1  }
0x8a: {  	s1 =	srdreg.scid  }
0x8b: {  	s0 =	sand.u32 $0x1, s1  }
0x8c: {  	s15 =	sshll.u32 s0, $0xA;
	s2 =	sadd.s32 s3, s2  }
0x8d: {  	s2 =	sadd.s32 s2, s15  }
0x8e: {  	[smem:$0x3FC6] =	sst s2  }
0x8f: {  	_ = 	snop  }
0x90: {  	s2 =	sld [smem:$0x3FD0];
	_ =	sdelay $0x1  }
0x91: {  	s16 =	sld [smem:$0x3FC9]  }
0x92: {  	s5 =	simm.s32 $0xA;
	s6 =	simm.s32 $0x10;
	s4 =	sld [smem:$0x3FC8]  }
0x93: {  	[smem:s6], [sflag:s5] =	dma.local [hbm:s2], $0x1  }
0x94: {  	_ =	swait.eq [sflag:s5], $0x1  }
0x95: {  	[sflag:s5] =	ssyncset.done $0x0  }
0x96: {  	s17 =	sld [smem:$0x10];
	[sflag:s5] =	ssyncadd.s32 $0xFFFFFFFF  }
0x97: {  	s18 =	sld [smem:$0x11];
	(tm) =	ssettm $0x1  }
0x98: {  	s19 =	sld [smem:$0x3FFB];
	_ =	sdelay $0x3  }
0x99: {  	_ =	strace s19  }
0x9a: {  	s6 =	sld [smem:$0x3FFC];
	_ =	sdelay $0x3  }
0x9b: {  	_ =	strace s6  }
0x9c: {  	s6 =	sld [smem:$0x3FFD];
	_ =	sdelay $0x3  }
0x9d: {  	_ =	strace s6  }
0x9e: {  	_ =	strace $0x8FFFFFFF  }
0x9f: {  	s20 =	sld [smem:$0x3FDB];
	_ =	sdelay $0x1  }
0xa0: {  	s7 =	simm.s32 $_scs_section_size  }
0xa1: {  	s8 =	simm.s32 $_size__tile_overlayer_lowered;
	s9 =	simm.s32 $_tile_overlayer_lowered  }
0xa2: {  	s23 =	simm.s32 $0x1BFF;
	s22 =	sshll.u32 s9, $0x1;
	s6 =	sadd.s32 s7, s20  }
0xa3: {  	s10 =	simm.s32 $0x0;
	s21 =	sshll.u32 s8, $0x1;
	s8 =	sadd.s32 s22, s6  }
0xa4: {  	[timem:s10], [sflag:s23] =	dma.local [hbm:s8], s21  }
0xa5: {  	_ =	swait.ge [sflag:s23], s21  }
0xa6: {  	s7 =	ssub.s32 $0x0, s21;
	[sflag:s23] =	ssyncset.done $0x0  }
0xa7: {  	[sflag:s23] =	ssyncadd.s32 s7;
	_ =	sdelay $0x1  }
0xa8: {  	s24 =	simm.s32 $0x1B8B  }
0xa9: {  	_ =	swait.ge [sflag:s24], $0x1  }
0xaa: {  	[sflag:s24] =	ssyncset.done $0x0  }
0xab: {  	s25 =	simm.s32 $0x1B8E;
	[sflag:s24] =	ssyncadd.s32 $0xFFFFFFFF  }
0xac: {  	s26 =	simm.s32 $execute0_lowered;
	[smem:$0x3FD2] =	sst s25  }
0xad: {  	s7 =	sshll.u32 s26, $0x1;
	_ =	strace $0x80000046;
	[dreg:$0x1] =	wrdreg $0xFFFFFFFF  }
0xae: {  	s28 =	simm.s32 $_size_execute0_lowered;
	s6 =	sadd.s32 s6, s7;
	[dreg:$0x0] =	wrdreg $0x0  }
0xaf: {  	s7 =	sshll.u32 s28, $0x1;
	[dreg:$0x2] =	wrdreg s6  }
0xb0: {  	[dreg:$0x3] =	wrdreg s7  }
0xb1: {  	[dreg:$0x4] =	wrdreg $0xC0  }
0xb2: {  	_ =	task [dreg:s10], $0x5FFFF  }
0xb3: {  	[dreg:$0x1] =	wrdreg $0xFFFFFFFF  }
0xb4: {  	[dreg:$0x0] =	wrdreg $0x60  }
0xb5: {  	[dreg:$0x2] =	wrdreg s16  }
0xb6: {  	[dreg:$0x3] =	wrdreg s4  }
0xb7: {  	[dreg:$0x4] =	wrdreg s17  }
0xb8: {  	[dreg:$0x5] =	wrdreg s18  }
0xb9: {  	[dreg:$0x6] =	wrdreg $0x9  }
0xba: {  	_ =	task.clear_ibuf [dreg:s10], $0x7FFFF;
	_ =	strace $0x90000046  }
0xbb: {  	s29 =	simm.s32 $0x9;
	_ =	strace $0x80000048  }
0xbc: {  	_ =	swait.ge [sflag:s29], $0x1  }
0xbd: {  	[sflag:s29] =	ssyncadd.s32 $0xFFFFFFFF  }
0xbe: {  	_ =	strace $0x90000048  }
0xbf: {  	_ =	sfence  }
0xc0: {  	s30 =	sld [smem:$0x0];
	_ =	sdelay $0x2  }
0xc1: {  	s31 =	sshll.u32 s1, $0xD;
	s1 =	sshrl.u32 s1, $0x2  }
0xc2: {  	s3 =	sand.u32 $0x4000, s31;
	s1 =	sadd.s32 s1, s30  }
0xc3: {  	s0 =	sor.u32 s3, s0;
	s1 =	sshll.u32 s1, $0x11  }
0xc4: {  	s0 =	sor.u32 s1, s0  }
0xc5: {  	s0 =	sadd.s32 $0x8F2B, s0  }
0xc6: {  	[sflag:s0] =	ssyncadd.remote.s32 $0x1  }
0xc7: {  	_ =	sfence.sel $0xFFFF  }
0xc8: {  	[dreg:$0x0] =	wrdreg $0xFFFFFFFF;
	(pc) =	sbr.abs _section_cstart, $3  }
0xc9: {  	[dreg:$0x1] =	wrdreg $0xFFFFFFFF  }
0xca: {  	_ =	task.clear_ibuf [dreg:s10], $0x2FFFF;
	_ =	strace $0x9FFFFFFF  }
0xcb: {  	(tm) =	ssettm $0x7FFFFFFF  }
tec
execute0_lowered:
.L_overlay_start_1:
0x0: {  	(tag) =	ssettag $0x1  }
0x1: {  	s4 =	rddreg [dreg:$0x0]  }
0x2: {  	s5 =	rddreg [dreg:$0x2]  }
0x3: {  	s0 =	rddreg [dreg:$0x3];
	s1 =	srdreg.scid  }
0x4: {  	s2 =	stileid.u32;
	s6 =	simm.s32 $0x0;
	s18 =	simm.s32 $0x200  }
0x5: {  	s19 =	simm.s32 $0x400;
	s1 =	sand.u32 $0x1, s1;
	s2 =	sshll.u32 s2, $0x9  }
0x6: {  	[smem:$0x7FF] =	sst s6;
	s24 =	sadd.s32 $0x40, s4;
	s3 =	sshll.u32 s1, $0x8  }
0x7: {  	_ =	strace $0x80000047;
	[dreg:$0x8] =	wrdreg s24;
	s3 =	sor.u32 s3, s2  }
0x8: {  	s20 =	simm.s32 $0x900;
	s23 =	sshll.u32 s3, $0x8;
	[dreg:$0x5] =	wrdreg s3  }
0x9: {  	s1 =	ssub.s32 $0x2, s1;
	s29 =	sor.u32 $0x10, s3;
	[dreg:$0x6] =	wrdreg s23  }
0xa: {  	s22 =	sshrl.u32 s1, $0x1;
	s30 =	sor.u32 $0x18, s3;
	[dreg:$0xd] =	wrdreg s29  }
0xb: {  	s1 =	ssub.s32 s1, s22;
	s2 =	sadd.s32 s23, s24;
	[dreg:$0xe] =	wrdreg s30  }
0xc: {  	s26 =	sshrl.u32 s3, $0x3;
	s7 =	sadd.s32 s4, s23;
	[dreg:$0x9] =	wrdreg s2  }
.Ltmp0:
0xd: {  	s0 =	sadd.s32 s0, s26;
	[dreg:$0x7] =	wrdreg s7;
	(pc) =	sbr.rel .LBB2_1-.Ltmp0, $4  }
0xe: {  	s21 =	simm.s32 $0x2900;
	s31 =	smax.u32 s1, $0x1;
	[dreg:$0xc] =	wrdreg s0  }
0xf: {  	s15 =	sadd.s32 $0x40, s5;
	s25 =	sadd.s32 $0x800, s7;
	[dreg:$0xf] =	wrdreg s31  }
0x10: {  	s22 =	simm.s32 $0x4900;
	s28 =	sadd.s32 $0x840, s7;
	[dreg:$0xa] =	wrdreg s25  }
0x11: {  	v0 =	vimm.f32 $0.0e+00;
	s23 =	simm.s32 $0x6900;
	s2 =	simm.s32 $0x0;
	[dreg:$0xb] =	wrdreg s28  }
.LBB2_20:
0x12: {  	s0 =	simm.s32 $0x5  }
0x13: {  	_ =	swait.ge [sflag:s0], $0x2000  }
0x14: {  	[sflag:s0] =	ssyncset.done $0x0  }
0x15: {  	s29 =	simm.s32 $0x6;
	[sflag:s0] =	ssyncadd.s32 $0xFFFFE000  }
0x16: {  	_ =	swait.ge [sflag:s29], $0x2000  }
0x17: {  	[sflag:s29] =	ssyncset.done $0x0  }
0x18: {  	s30 =	simm.s32 $0x7;
	[sflag:s29] =	ssyncadd.s32 $0xFFFFE000  }
0x19: {  	_ =	swait.ge [sflag:s30], $0x2000  }
0x1a: {  	[sflag:s30] =	ssyncset.done $0x0  }
0x1b: {  	s1 =	simm.s32 $0x8;
	[sflag:s30] =	ssyncadd.s32 $0xFFFFE000  }
0x1c: {  	_ =	swait.ge [sflag:s1], $0x2000  }
0x1d: {  	s2 =	rddreg [dreg:$0x10]  }
0x1e: {  	s31 =	rddreg [dreg:$0xf];
	s2 =	sadd.s32 $0x1, s2  }
0x1f: {  	p0 =	sne.s32 s2, s31  }
.Ltmp1:
0x20: {  	_ = 	snop;
	(pc) =	sbr.rel @!p0 .LBB2_21-.Ltmp1, $3  }
0x21: {  	_ =	sdelay $0x1  }
0x22: {  	[sflag:s1] =	ssyncset.done $0x0  }
0x23: {  	[sflag:s1] =	ssyncadd.s32 $0xFFFFE000  }
.LBB2_1:
0x24: {  	s0 =	rddreg [dreg:$0x7]  }
0x25: {  	[tilespmem:s20], [sflag:$0x1] =	stream.strided.gather [hbm4b:s0+s18], $0x2000, s19, s18, $0x38;
	[tilespmem:$0x10900] =	vst v63  }
0x26: {  	s24 =	rddreg [dreg:$0x9]  }
0x27: {  	[tilespmem:s21], [sflag:$0x2] =	stream.strided.gather [hbm4b:s24+s18], $0x2000, s19, s18, $0x38;
	[tilespmem:$0x10900] =	vst v63  }
0x28: {  	s25 =	rddreg [dreg:$0xa]  }
0x29: {  	[tilespmem:s22], [sflag:$0x3] =	stream.strided.gather [hbm4b:s25+s18], $0x2000, s19, s18, $0x38;
	[tilespmem:$0x10900] =	vst v63  }
0x2a: {  	s26 =	rddreg [dreg:$0xb]  }
0x2b: {  	[tilespmem:s23], [sflag:$0x4] =	stream.strided.gather [hbm4b:s26+s18], $0x2000, s19, s18, $0x38;
	[tilespmem:$0x10900] =	vst v63  }
0x2c: {  	[tilespmem:$0x800] =	vst v0  }
0x2d: {  	[tilespmem:$0x810] =	vst v0  }
0x2e: {  	[tilespmem:$0x820] =	vst v0  }
0x2f: {  	[tilespmem:$0x830] =	vst v0  }
0x30: {  	[tilespmem:$0x840] =	vst v0  }
0x31: {  	[tilespmem:$0x850] =	vst v0  }
0x32: {  	[tilespmem:$0x860] =	vst v0  }
0x33: {  	[tilespmem:$0x870] =	vst v0  }
0x34: {  	[tilespmem:$0x880] =	vst v0  }
0x35: {  	[tilespmem:$0x890] =	vst v0  }
0x36: {  	[tilespmem:$0x8A0] =	vst v0  }
0x37: {  	[tilespmem:$0x8B0] =	vst v0  }
0x38: {  	[tilespmem:$0x8C0] =	vst v0  }
0x39: {  	[tilespmem:$0x8D0] =	vst v0  }
0x3a: {  	[dreg:$0x10] =	wrdreg s2;
	s1 =	simm.s32 $0x0;
	[tilespmem:$0x8E0] =	vst v0  }
0x3b: {  	s28 =	rddreg [dreg:$0xc];
	s29 =	simm.s32 $0x800;
	s30 =	simm.s32 $0x9;
	[tilespmem:$0x8F0] =	vst v0  }
0x3c: {  	[hbm4b:s28+s1] =	stream.linear.scatter [tilespmem:s29], [sflag:$0x9], $0x100, $0x38;
	[tilespmem:$0x10900] =	vst v63  }
0x3d: {  	_ =	swait.ge [sflag:s30], $0x100  }
0x3e: {  	[sflag:s30] =	ssyncset.done $0x0  }
0x3f: {  	[sflag:s30] =	ssyncadd.s32 $0xFFFFFF00  }
0x40: {  	s31 =	rddreg [dreg:$0x1]  }
0x41: {  	[tilespmem:s1], [sflag:$0x9] =	stream.linear.gather [hbm4b:s31+s1], $0x800, $0x38;
	[tilespmem:$0x10900] =	vst v63  }
0x42: {  	_ =	swait.ge [sflag:s30], $0x800  }
0x43: {  	[sflag:s30] =	ssyncset.done $0x0  }
0x44: {  	s13 =	simm.s32 $0x0;
	[sflag:s30] =	ssyncadd.s32 $0xFFFFF800  }
.LBB2_2:
0x45: {  	s0 =	simm.s32 $0x1  }
0x46: {  	_ =	swait.ge [sflag:s0], $0x2000  }
0x47: {  	p0 =	seq.s32 s13, $0x0;
	[sflag:s0] =	ssyncset.done $0x0  }
0x48: {  	s1 =	simm.s32 $0x0;
	[sflag:s0] =	ssyncadd.s32 $0xFFFFE000;
	s0 =	simm.s32 @!p0 $0x5  }
0x49: {  	s3 =	sand.u32 $0x40, s1;
	_ =	swait.ge @!p0 [sflag:s0], $0x2000  }
0x4a: {  	s4 =	sand.u32 $0x780, s1;
	s5 =	sor.u32 $0x30, s3;
	[sflag:s0] =	ssyncset.done @!p0 $0x0  }
0x4b: {  	s8 =	sor.u32 s5, s4;
	[sflag:s0] =	ssyncadd.s32 @!p0 $0xFFFFE000  }
0x4c: {  	s9 =	sor.u32 $0x10, s3;
	v1 =	vld [tilespmem:s8+$0x0]  }
0x4d: {  	s6 =	sor.u32 s9, s4;
	s8 =	sor.u32 $0x20, s3  }
0x4e: {  	v2 =	vld [tilespmem:s6+$0x0];
	s4 =	sor.u32 s8, s4  }
0x4f: {  	v3 =	vld [tilespmem:s4+$0x0];
	_ =	sdelay $0x1  }
0x50: {  	v4 =	vshll.u32 v1, $0x2  }
0x51: {  	v1 =	vand.u32 $0x7F, v1;
	v4 =	vand.u32 $0xFFFFFE00, v4  }
0x52: {  	v1 =	vor.u32 v1, v4;
	v4 =	vshll.u32 v2, $0x2  }
0x53: {  	v2 =	vand.u32 $0x7F, v2;
	v5 =	vshll.u32 v3, $0x2;
	v4 =	vand.u32 $0xFFFFFE00, v4  }
0x54: {  	v3 =	vand.u32 $0x7F, v3;
	v2 =	vor.u32 v2, v4;
	v4 =	vand.u32 $0xFFFFFE00, v5  }
0x55: {  	v3 =	vor.u32 v3, v4;
	_ =	sdelay $0x1  }
0x56: {  	s12 =	simm.s32 $0x0;
	s14 =	simm.s32 $0x40;
	s1 =	sand.u32 $0x1E00, s1;
	v4 =	vld.idx.msk [tilespmem:v1+s20+$0x0], $0xffff  }
0x57: {  	s10 =	sadd.s32 $0x8900, s1;
	s1 =	sand.u32 $0x40, s14;
	v7 =	vld [tilespmem:s12+$0x0];
	v5 =	vor.u32 $0x80, v1  }
0x58: {  	s11 =	sand.u32 $0x780, s14;
	s7 =	sor.u32 $0x30, s1;
	v6 =	vld.idx.msk [tilespmem:v2+s20+$0x0], $0xffff  }
0x59: {  	s6 =	sor.u32 s7, s11;
	v8 =	vld.idx.msk [tilespmem:v3+s20+$0x0], $0xffff  }
0x5a: {  	s16 =	sor.u32 s5, s10;
	v10 =	vld [tilespmem:s6+$0x0];
	v9 =	vor.u32 $0x80, v3  }
0x5b: {  	s5 =	sor.u32 $0x10, s1;
	[tilespmem:s16+$0x0] =	vst v4  }
0x5c: {  	s0 =	sor.u32 s9, s10;
	s12 =	sor.u32 s5, s11;
	s6 =	sor.u32 $0x20, s1;
	v12 =	vshll.u32 v7, $0x2;
	v4 =	vor.u32 $0x80, v2;
	v5 =	vld.idx.msk [tilespmem:v5+s20+$0x0], $0xffff  }
0x5d: {  	v11 =	vld [tilespmem:s12+$0x0];
	s8 =	sor.u32 s8, s10;
	s11 =	sor.u32 s6, s11;
	v7 =	vand.u32 $0x7F, v7;
	v12 =	vand.u32 $0xFFFFFE00, v12;
	v13 =	vor.u32 $0x100, v1;
	[tilespmem:s0+$0x0] =	vst v6  }
0x5e: {  	v14 =	vld [tilespmem:s11+$0x0];
	v6 =	vor.u32 v7, v12;
	[tilespmem:s8+$0x0] =	vst v8  }
0x5f: {  	v12 =	vshll.u32 v10, $0x2;
	v9 =	vld.idx.msk [tilespmem:v9+s20+$0x0], $0xffff  }
0x60: {  	p1 =	por $0x0, $0x0;
	s26 =	simm.s32 $0x80;
	v10 =	vand.u32 $0x7F, v10;
	v8 =	vor.u32 $0x100, v3;
	v12 =	vand.u32 $0xFFFFFE00, v12  }
0x61: {  	s14 =	sor.u32 s3, s10;
	s10 =	sand.u32 $0x40, s26;
	s4 =	simm.s32 $0x1;
	v10 =	vor.u32 v10, v12;
	v4 =	vld.idx.msk [tilespmem:v4+s20+$0x0], $0xffff;
	[tilespmem:s16+$0x80] =	vst v5  }
0x62: {  	s2 =	sand.u32 $0x780, s26;
	s4 =	simm.s32 @!p1 $0x0;
	s11 =	sor.u32 $0x30, s10;
	v7 =	vor.u32 $0x100, v2;
	v13 =	vld.idx.msk [tilespmem:v13+s20+$0x0], $0xffff  }
0x63: {  	s4 =	sshll.u32 s4, $0x6;
	s9 =	sor.u32 s11, s2;
	v1 =	vor.u32 $0x180, v1;
	v5 =	vshll.u32 v11, $0x2;
	v15 =	vld.idx.msk [tilespmem:v6+s20+$0x0], $0xffff  }
0x64: {  	s4 =	sadd.s32 $0x0, s4;
	v17 =	vld [tilespmem:s9+$0x0];
	v12 =	vshll.u32 v14, $0x2;
	v11 =	vand.u32 $0x7F, v11;
	v5 =	vand.u32 $0xFFFFFE00, v5;
	[tilespmem:s8+$0x80] =	vst v9  }
0x65: {  	v12 =	vand.u32 $0xFFFFFE00, v12;
	v5 =	vor.u32 v11, v5;
	v11 =	vand.u32 $0x7F, v14;
	s8 =	sadd.s32 $0x30, s4;
	v8 =	vld.idx.msk [tilespmem:v8+s20+$0x0], $0xffff  }
0x66: {  	v9 =	vor.u32 $0x80, v6;
	[tilespmem:s0+$0x80] =	vst v4;
	v4 =	vor.u32 v11, v12;
	s17 =	sor.u32 $0x100, s8;
	v11 =	vld.idx.msk [tilespmem:v10+s20+$0x0], $0xffff  }
0x67: {  	s25 =	simm.s32 $0x40;
	v7 =	vld.idx.msk [tilespmem:v7+s20+$0x0], $0xffff;
	[tilespmem:s17+$0x8900] =	vst v13  }
0x68: {  	s24 =	simm.s32 $0x100;
	[tilespmem:s14+$0x0] =	vst v15;
	v15 =	vld [tilespmem:s25+$0x0]  }
0x69: {  	s0 =	sand.u32 $0x1E00, s24;
	v12 =	vld.idx.msk [tilespmem:v1+s20+$0x0], $0xffff;
	v1 =	vor.u32 $0x80, v10  }
0x6a: {  	v2 =	vor.u32 $0x180, v2;
	s3 =	sadd.s32 $0x8900, s0;
	v13 =	vld.idx.msk [tilespmem:v5+s20+$0x0], $0xffff  }
0x6b: {  	s16 =	sadd.s32 $0x10, s4;
	s0 =	sor.u32 s7, s3;
	s25 =	sor.u32 $0x10, s10;
	v9 =	vld.idx.msk [tilespmem:v9+s20+$0x0], $0xffff  }
0x6c: {  	s17 =	sor.u32 $0x100, s16;
	s24 =	sor.u32 s25, s2;
	v14 =	vld.idx.msk [tilespmem:v4+s20+$0x0], $0xffff;
	[tilespmem:s0+$0x0] =	vst v11;
	v11 =	vor.u32 $0x80, v5  }
0x6d: {  	v16 =	vor.u32 $0x80, v4;
	[tilespmem:s17+$0x8900] =	vst v7;
	v7 =	vld [tilespmem:s24+$0x0]  }
0x6e: {  	s12 =	sor.u32 $0x20, s10;
	v18 =	vor.u32 $0x100, v6;
	v1 =	vld.idx.msk [tilespmem:v1+s20+$0x0], $0xffff  }
0x6f: {  	v20 =	vor.u32 $0x100, v10;
	s7 =	sor.u32 s12, s2;
	s5 =	sor.u32 s5, s3;
	v19 =	vld.idx.msk [tilespmem:v2+s20+$0x0], $0xffff;
	v2 =	vshll.u32 v15, $0x2  }
0x70: {  	v3 =	vor.u32 $0x180, v3;
	s6 =	sor.u32 s6, s3;
	v21 =	vld [tilespmem:s7+$0x0];
	v15 =	vand.u32 $0x7F, v15;
	v2 =	vand.u32 $0xFFFFFE00, v2;
	[tilespmem:s5+$0x0] =	vst v13  }
0x71: {  	v13 =	vor.u32 v15, v2;
	v2 =	vld.idx.msk [tilespmem:v11+s20+$0x0], $0xffff;
	[tilespmem:s6+$0x0] =	vst v14  }
0x72: {  	s30 =	simm.s32 $0xC0;
	s7 =	sadd.s32 $0x20, s4;
	v15 =	vor.u32 $0x100, v4;
	[tilespmem:s14+$0x80] =	vst v9;
	v9 =	vshll.u32 v17, $0x2;
	v11 =	vor.u32 $0x100, v5;
	v16 =	vld.idx.msk [tilespmem:v16+s20+$0x0], $0xffff  }
0x73: {  	p1 =	por !p1, !p1;
	s24 =	sor.u32 $0x100, s7;
	v22 =	vld.idx.msk [tilespmem:v18+s20+$0x0], $0xffff;
	v14 =	vand.u32 $0x7F, v17;
	v9 =	vand.u32 $0xFFFFFE00, v9;
	[tilespmem:s0+$0x80] =	vst v1;
	v1 =	vshll.u32 v7, $0x2;
	s0 =	simm.s32 $0x1  }
0x74: {  	s26 =	sshll.u32 s13, $0xC;
	s9 =	sor.u32 $0x180, s8;
	[tilespmem:s24+$0x8900] =	vst v8;
	v8 =	vld.idx.msk [tilespmem:v20+s20+$0x0], $0xffff;
	v17 =	vand.u32 $0xFFFFFE00, v1;
	v1 =	vor.u32 v14, v9;
	s0 =	simm.s32 @!p1 $0x0  }
0x75: {  	s28 =	sor.u32 $0x180, s4;
	s2 =	rddreg [dreg:$0x6];
	[tilespmem:s9+$0x8900] =	vst v12;
	v9 =	vshll.u32 v21, $0x2;
	v20 =	vld.idx.msk [tilespmem:v3+s20+$0x0], $0xffff;
	v3 =	vand.u32 $0x7F, v7;
	v7 =	vor.u32 $0x180, v10;
	s0 =	sshll.u32 s0, $0x6  }
0x76: {  	s3 =	sor.u32 s1, s3;
	s24 =	sor.u32 $0x100, s4;
	v23 =	vld.idx.msk [tilespmem:v13+s20+$0x0], $0xffff;
	v9 =	vand.u32 $0xFFFFFE00, v9;
	v24 =	vor.u32 v3, v17;
	v3 =	vand.u32 $0x7F, v21;
	[tilespmem:s5+$0x80] =	vst v2;
	s0 =	sadd.s32 $0x100, s0  }
0x77: {  	s8 =	sadd.s32 s2, s26;
	s26 =	sor.u32 $0x180, s16;
	v21 =	vor.u32 v3, v9;
	v14 =	vld.idx.msk [tilespmem:v11+s20+$0x0], $0xffff;
	[tilespmem:s6+$0x80] =	vst v16;
	s16 =	sadd.s32 $0x30, s0  }
0x78: {  	s17 =	sshll.u32 s13, $0x4;
	s4 =	simm.s32 $0x8;
	v4 =	vor.u32 $0x180, v4;
	[tilespmem:s24+$0x8900] =	vst v22;
	v15 =	vld.idx.msk [tilespmem:v15+s20+$0x0], $0xffff;
	s2 =	sor.u32 $0x100, s16  }
0x79: {  	v5 =	vor.u32 $0x180, v5;
	v10 =	vor.u32 $0x80, v13;
	s5 =	sor.u32 $0x180, s7;
	v2 =	vor.u32 $0x180, v6;
	s6 =	sadd.s32 $0x10, s0;
	s9 =	sadd.s32 $0x20, s0;
	v18 =	vld.idx.msk [tilespmem:v1+s20+$0x0], $0xffff;
	[tilespmem:s2+$0x8900] =	vst v8  }
0x7a: {  	v6 =	vor.u32 $0x100, v13;
	[tilespmem:s26+$0x8900] =	vst v19;
	v3 =	vor.u32 $0x180, v13;
	v11 =	vor.u32 $0x80, v24;
	s31 =	sor.u32 $0x100, s0;
	s7 =	sor.u32 $0x180, s0;
	s0 =	simm.s32 $0x80;
	v17 =	vld.idx.msk [tilespmem:v7+s20+$0x0], $0xffff  }
0x7b: {  	v12 =	vor.u32 $0x180, v24;
	v13 =	vor.u32 $0x80, v21;
	s14 =	sor.u32 $0x100, s6;
	s26 =	sor.u32 $0x100, s9;
	[tilespmem:s5+$0x8900] =	vst v20;
	s5 =	simm.s32 $0x200;
	v20 =	vor.u32 $0x80, v1;
	v16 =	vld.idx.msk [tilespmem:v24+s20+$0x0], $0xffff  }
0x7c: {  	v9 =	vor.u32 $0x180, v21;
	s6 =	sor.u32 $0x180, s6;
	s1 =	sor.u32 $0x180, s9;
	v8 =	vor.u32 $0x100, v21;
	[tilespmem:s3+$0x0] =	vst v23;
	v7 =	vor.u32 $0x100, v24;
	s29 =	sand.u32 $0x1E00, s5;
	v19 =	vld.idx.msk [tilespmem:v21+s20+$0x0], $0xffff  }
.LBB2_3:
0x7d: {  	s2 =	sand.u32 $0x780, s30;
	v21 =	vld [tilespmem:s0+$0x0];
	s0 =	sadd.s32 $0x8900, s29;
	[tilespmem:s14+$0x8900] =	vst v14;
	s24 =	smov.u32 s28  }
0x7e: {  	s14 =	sand.u32 $0x40, s30;
	s4 =	sadd.s32 $0x4, s4;
	s29 =	sor.u32 s11, s0;
	v14 =	vld.idx.msk [tilespmem:v10+s20+$0x0], $0xffff;
	[tilespmem:s26+$0x8900] =	vst v15  }
0x7f: {  	s16 =	sor.u32 $0x180, s16;
	s11 =	sor.u32 $0x30, s14;
	p2 =	slt.u32 s4, $0x7C;
	[tilespmem:s29+$0x0] =	vst v18;
	v15 =	vld.idx.msk [tilespmem:v5+s20+$0x0], $0xffff;
	v5 =	vmov v12  }
0x80: {  	s26 =	sor.u32 $0x10, s14;
	s28 =	sor.u32 $0x20, s14;
	s9 =	sor.u32 s11, s2;
	v12 =	vld.idx.msk [tilespmem:v20+s20+$0x0], $0xffff;
	[tilespmem:s16+$0x8900] =	vst v17  }
0x81: {  	s16 =	sor.u32 s26, s2;
	s2 =	sor.u32 s28, s2;
	v17 =	vld [tilespmem:s9+$0x0];
	s9 =	sor.u32 s10, s0  }
0x82: {  	s10 =	smov.u32 s14;
	v18 =	vld [tilespmem:s16+$0x0];
	v10 =	vand.u32 $0x7F, v21;
	v20 =	vshll.u32 v21, $0x2;
	s16 =	sor.u32 s25, s0;
	s0 =	sor.u32 s12, s0;
	v21 =	vor.u32 $0x100, v1  }
0x83: {  	s25 =	smov.u32 s26;
	s12 =	smov.u32 s28;
	s28 =	smov.u32 s7;
	v22 =	vld [tilespmem:s2+$0x0];
	v20 =	vand.u32 $0xFFFFFE00, v20;
	[tilespmem:s16+$0x0] =	vst v16  }
0x84: {  	v16 =	vor.u32 v10, v20;
	v11 =	vld.idx.msk [tilespmem:v11+s20+$0x0], $0xffff;
	[tilespmem:s0+$0x0] =	vst v19  }
0x85: {  	v10 =	vor.u32 $0x80, v16;
	v19 =	vor.u32 $0x100, v16;
	v20 =	vor.u32 $0x180, v16;
	v13 =	vld.idx.msk [tilespmem:v13+s20+$0x0], $0xffff;
	[tilespmem:s3+$0x80] =	vst v14;
	s3 =	smov.u32 s9  }
0x86: {  	p1 =	por !p1, !p1;
	s2 =	simm.s32 $0x1;
	v14 =	vshll.u32 v17, $0x2;
	[tilespmem:s29+$0x80] =	vst v12;
	v23 =	vld.idx.msk [tilespmem:v6+s20+$0x0], $0xffff;
	v6 =	vmov v19  }
0x87: {  	s2 =	simm.s32 @!p1 $0x0;
	v17 =	vand.u32 $0x7F, v17;
	v12 =	vshll.u32 v18, $0x2;
	v14 =	vand.u32 $0xFFFFFE00, v14;
	v19 =	vld.idx.msk [tilespmem:v21+s20+$0x0], $0xffff;
	[tilespmem:s6+$0x8900] =	vst v15  }
0x88: {  	s2 =	sshll.u32 s2, $0x6;
	v12 =	vand.u32 $0xFFFFFE00, v12;
	v15 =	vshll.u32 v22, $0x2;
	v17 =	vor.u32 v17, v14;
	v21 =	vld.idx.msk [tilespmem:v4+s20+$0x0], $0xffff;
	v4 =	vmovc v9  }
0x89: {  	s2 =	sadd.s32 s2, s5;
	v9 =	vand.u32 $0x7F, v18;
	v14 =	vand.u32 $0xFFFFFE00, v15;
	v24 =	vld.idx.msk [tilespmem:v16+s20+$0x0], $0xffff;
	v16 =	vor.u32 $0x180, v1;
	v1 =	vmovc v17  }
0x8a: {  	s6 =	sadd.s32 $0x10, s2;
	v25 =	vor.u32 v9, v12;
	v9 =	vand.u32 $0x7F, v22;
	[tilespmem:s16+$0x80] =	vst v11;
	v22 =	vld.idx.msk [tilespmem:v2+s20+$0x0], $0xffff;
	v2 =	vmovc v3;
	v3 =	vmov v20  }
0x8b: {  	s14 =	sor.u32 $0x100, s6;
	v11 =	vor.u32 $0x80, v25;
	v26 =	vor.u32 v9, v14;
	s16 =	sadd.s32 $0x30, s2;
	v14 =	vld.idx.msk [tilespmem:v7+s20+$0x0], $0xffff;
	v7 =	vor.u32 $0x100, v25;
	[tilespmem:s0+$0x80] =	vst v13;
	s0 =	sadd.s32 $0x20, s2  }
.Ltmp2:
0x8c: {  	v12 =	vor.u32 $0x180, v25;
	v13 =	vor.u32 $0x80, v26;
	s7 =	sor.u32 $0x100, s16;
	v15 =	vld.idx.msk [tilespmem:v8+s20+$0x0], $0xffff;
	v8 =	vor.u32 $0x100, v26;
	s26 =	sor.u32 $0x100, s0;
	[tilespmem:s31+$0x8900] =	vst v23;
	(pc) =	sbr.rel @p2 .LBB2_3-.Ltmp2, $4  }
0x8d: {  	s6 =	sor.u32 $0x180, s6;
	v9 =	vor.u32 $0x180, v26;
	s31 =	sor.u32 $0x100, s2;
	s0 =	sor.u32 $0x180, s0;
	v18 =	vld.idx.msk [tilespmem:v17+s20+$0x0], $0xffff;
	[tilespmem:s7+$0x8900] =	vst v19  }
0x8e: {  	s7 =	sor.u32 $0x180, s2;
	v17 =	vld.idx.msk [tilespmem:v16+s20+$0x0], $0xffff;
	[tilespmem:s1+$0x8900] =	vst v21;
	s1 =	smov.u32 s0  }
0x8f: {  	s5 =	sadd.s32 $0x100, s5;
	v20 =	vor.u32 $0x80, v1;
	v16 =	vld.idx.msk [tilespmem:v25+s20+$0x0], $0xffff;
	[tilespmem:s3+$0x0] =	vst v24  }
0x90: {  	s30 =	sadd.s32 $0x40, s30;
	s29 =	sand.u32 $0x1E00, s5;
	s0 =	sshra.s32 s5, $0x2;
	v19 =	vld.idx.msk [tilespmem:v26+s20+$0x0], $0xffff;
	[tilespmem:s24+$0x8900] =	vst v22  }
0x91: {  	v21 =	vld [tilespmem:s0+$0x0];
	_ =	sdelay $0x4  }
0x92: {  	v22 =	vshll.u32 v21, $0x2  }
0x93: {  	v21 =	vand.u32 $0x7F, v21;
	v22 =	vand.u32 $0xFFFFFE00, v22  }
0x94: {  	v21 =	vor.u32 v21, v22;
	_ =	sdelay $0x3  }
0x95: {  	s29 =	sadd.s32 $0x8900, s29;
	[tilespmem:s14+$0x8900] =	vst v14  }
0x96: {  	[tilespmem:s26+$0x8900] =	vst v15;
	s2 =	sor.u32 s11, s29;
	v53 =	vld.idx.msk [tilespmem:v21+s20+$0x0], $0xffff  }
0x97: {  	v10 =	vld.idx.msk [tilespmem:v10+s20+$0x0], $0xffff;
	s30 =	sor.u32 $0x180, s16;
	[tilespmem:s2+$0x0] =	vst v18;
	v54 =	vor.u32 $0x80, v21  }
0x98: {  	v2 =	vld.idx.msk [tilespmem:v2+s20+$0x0], $0xffff;
	s9 =	sor.u32 s12, s29;
	[tilespmem:s30+$0x8900] =	vst v17  }
0x99: {  	s4 =	sor.u32 s25, s29;
	v18 =	vld.idx.msk [tilespmem:v20+s20+$0x0], $0xffff;
	[tilespmem:s9+$0x0] =	vst v19  }
0x9a: {  	v55 =	vor.u32 $0x100, v1;
	s0 =	sor.u32 s10, s29;
	[tilespmem:s4+$0x0] =	vst v16;
	v13 =	vld.idx.msk [tilespmem:v13+s20+$0x0], $0xffff  }
0x9b: {  	v11 =	vld.idx.msk [tilespmem:v11+s20+$0x0], $0xffff;
	[tilespmem:s0+$0x0] =	vst v53  }
0x9c: {  	[tilespmem:s3+$0x80] =	vst v10;
	v56 =	vld.idx.msk [tilespmem:v54+s20+$0x0], $0xffff  }
0x9d: {  	v5 =	vld.idx.msk [tilespmem:v5+s20+$0x0], $0xffff;
	[tilespmem:s28+$0x8900] =	vst v2;
	v57 =	vor.u32 $0x100, v21  }
0x9e: {  	p1 =	por !p1, !p1;
	v6 =	vld.idx.msk [tilespmem:v6+s20+$0x0], $0xffff;
	[tilespmem:s2+$0x80] =	vst v18;
	s2 =	simm.s32 $0x1  }
0x9f: {  	v58 =	vld.idx.msk [tilespmem:v55+s20+$0x0], $0xffff;
	s2 =	simm.s32 @!p1 $0x0;
	[tilespmem:s9+$0x80] =	vst v13  }
0xa0: {  	v1 =	vor.u32 $0x180, v1;
	[tilespmem:s4+$0x80] =	vst v11;
	s2 =	sshll.u32 s2, $0x6;
	v59 =	vld.idx.msk [tilespmem:v8+s20+$0x0], $0xffff  }
0xa1: {  	v7 =	vld.idx.msk [tilespmem:v7+s20+$0x0], $0xffff;
	s2 =	sadd.s32 s2, s5;
	[tilespmem:s0+$0x80] =	vst v56  }
0xa2: {  	[tilespmem:s6+$0x8900] =	vst v5;
	s11 =	sadd.s32 $0x30, s2;
	v60 =	vld.idx.msk [tilespmem:v57+s20+$0x0], $0xffff  }
0xa3: {  	v4 =	vld.idx.msk [tilespmem:v4+s20+$0x0], $0xffff;
	v61 =	vor.u32 $0x180, v21;
	[tilespmem:s31+$0x8900] =	vst v6;
	s5 =	sadd.s32 $0x20, s2;
	s14 =	sor.u32 $0x100, s11  }
0xa4: {  	s12 =	sadd.s32 $0x10, s2;
	v3 =	vld.idx.msk [tilespmem:v3+s20+$0x0], $0xffff;
	s24 =	sor.u32 $0x100, s5;
	[tilespmem:s14+$0x8900] =	vst v58  }
0xa5: {  	s16 =	sor.u32 $0x100, s12;
	v1 =	vld.idx.msk [tilespmem:v1+s20+$0x0], $0xffff;
	[tilespmem:s24+$0x8900] =	vst v59  }
0xa6: {  	s25 =	sor.u32 $0x100, s2;
	[tilespmem:s16+$0x8900] =	vst v7;
	v63 =	vld.idx.msk [tilespmem:v9+s20+$0x0], $0xffff  }
0xa7: {  	v62 =	vld.idx.msk [tilespmem:v12+s20+$0x0], $0xffff;
	[tilespmem:s25+$0x8900] =	vst v60  }
0xa8: {  	[tilespmem:s1+$0x8900] =	vst v4;
	v2 =	vld.idx.msk [tilespmem:v61+s20+$0x0], $0xffff  }
0xa9: {  	p2 =	sne.s32 s13, $0xF;
	s26 =	sor.u32 $0x180, s11;
	[tilespmem:s7+$0x8900] =	vst v3  }
.Ltmp3:
0xaa: {  	s28 =	sor.u32 $0x180, s5;
	[tilespmem:s26+$0x8900] =	vst v1;
	(pc) =	sbr.rel @p2 .LBB2_6-.Ltmp3, $4  }
0xab: {  	[tilespmem:s28+$0x8900] =	vst v63;
	s0 =	sor.u32 $0x180, s12  }
0xac: {  	s30 =	rddreg [dreg:$0x2];
	s29 =	sor.u32 $0x180, s2;
	[tilespmem:s0+$0x8900] =	vst v62  }
0xad: {  	s31 =	simm.s32 $0x8900;
	s0 =	sadd.s32 s30, s8;
	[tilespmem:s29+$0x8900] =	vst v2  }
0xae: {  	[hbm4b:s0+s18] =	stream.strided.scatter [tilespmem:s31], [sflag:$0x5], $0x2000, s19, s18, $0x38;
	[tilespmem:$0x10900] =	vst v63  }
.Ltmp4:
0xaf: {  	(pc) =	sbr.rel .LBB2_7-.Ltmp4, $4  }
0xb0: {  	s0 =	simm.s32 $0x2  }
0xb1: {  	_ =	swait.ge [sflag:s0], $0x2000  }
0xb2: {  	[sflag:s0] =	ssyncset.done $0x0  }
0xb3: {  	[sflag:s0] =	ssyncadd.s32 $0xFFFFE000  }
.LBB2_6:
0xb4: {  	s0 =	rddreg [dreg:$0xd]  }
0xb5: {  	s0 =	sadd.s32 s17, s0  }
0xb6: {  	s1 =	rddreg [dreg:$0x0];
	s0 =	sshll.u32 s0, $0x8  }
.Ltmp5:
0xb7: {  	s31 =	simm.s32 $0x2;
	s0 =	sadd.s32 s1, s0;
	(pc) =	sbr.rel @p0 .LBB2_8-.Ltmp5, $4  }
0xb8: {  	[tilespmem:s20], [sflag:$0x1] =	stream.strided.gather [hbm4b:s0+s18], $0x2000, s19, s18, $0x38;
	[tilespmem:$0x10900] =	vst v63  }
0xb9: {  	_ =	swait.ge [sflag:s31], $0x2000  }
0xba: {  	[sflag:s31] =	ssyncset.done $0x0  }
0xbb: {  	[sflag:s31] =	ssyncadd.s32 $0xFFFFE000  }
.LBB2_7:
0xbc: {  	s0 =	simm.s32 $0x6  }
0xbd: {  	_ =	swait.ge [sflag:s0], $0x2000  }
0xbe: {  	[sflag:s0] =	ssyncset.done $0x0  }
0xbf: {  	[sflag:s0] =	ssyncadd.s32 $0xFFFFE000  }
.LBB2_8:
0xc0: {  	s0 =	simm.s32 $0x0  }
0xc1: {  	s3 =	sand.u32 $0x40, s0  }
0xc2: {  	s1 =	sand.u32 $0x780, s0;
	s2 =	sor.u32 $0x30, s3  }
0xc3: {  	s4 =	sor.u32 s2, s1  }
0xc4: {  	s14 =	sor.u32 $0x10, s3;
	v1 =	vld [tilespmem:s4+$0x0]  }
0xc5: {  	s9 =	sor.u32 $0x20, s3;
	s5 =	sor.u32 s14, s1  }
0xc6: {  	s1 =	sor.u32 s9, s1;
	v2 =	vld [tilespmem:s5+$0x0]  }
0xc7: {  	v3 =	vld [tilespmem:s1+$0x0];
	_ =	sdelay $0x1  }
0xc8: {  	v4 =	vshll.u32 v1, $0x2  }
0xc9: {  	v1 =	vand.u32 $0x7F, v1;
	v4 =	vand.u32 $0xFFFFFE00, v4  }
0xca: {  	v1 =	vor.u32 v1, v4;
	v4 =	vshll.u32 v2, $0x2  }
0xcb: {  	v5 =	vshll.u32 v3, $0x2;
	v2 =	vand.u32 $0x7F, v2;
	v4 =	vand.u32 $0xFFFFFE00, v4  }
0xcc: {  	v3 =	vand.u32 $0x7F, v3;
	v2 =	vor.u32 v2, v4;
	v4 =	vand.u32 $0xFFFFFE00, v5  }
0xcd: {  	v3 =	vor.u32 v3, v4;
	_ =	sdelay $0x1  }
0xce: {  	s16 =	simm.s32 $0x0;
	s24 =	simm.s32 $0x40;
	v4 =	vld.idx.msk [tilespmem:v1+s21+$0x0], $0xffff  }
0xcf: {  	v7 =	vld [tilespmem:s16+$0x0];
	s1 =	sand.u32 $0x40, s24;
	v5 =	vor.u32 $0x80, v1  }
0xd0: {  	s0 =	sand.u32 $0x1E00, s0;
	s25 =	sand.u32 $0x780, s24;
	s7 =	sor.u32 $0x30, s1;
	v6 =	vld.idx.msk [tilespmem:v2+s21+$0x0], $0xffff  }
0xd1: {  	s10 =	sadd.s32 $0xA900, s0;
	s6 =	sor.u32 s7, s25;
	v8 =	vld.idx.msk [tilespmem:v3+s21+$0x0], $0xffff  }
0xd2: {  	s0 =	sor.u32 s2, s10;
	v10 =	vld [tilespmem:s6+$0x0];
	v9 =	vor.u32 $0x80, v3  }
0xd3: {  	s5 =	sor.u32 $0x10, s1;
	[tilespmem:s0+$0x0] =	vst v4  }
0xd4: {  	s26 =	sor.u32 s14, s10;
	s11 =	sor.u32 s5, s25;
	v12 =	vshll.u32 v7, $0x2;
	s6 =	sor.u32 $0x20, s1;
	v4 =	vor.u32 $0x80, v2;
	v5 =	vld.idx.msk [tilespmem:v5+s21+$0x0], $0xffff  }
0xd5: {  	s9 =	sor.u32 s9, s10;
	v7 =	vand.u32 $0x7F, v7;
	v11 =	vld [tilespmem:s11+$0x0];
	v12 =	vand.u32 $0xFFFFFE00, v12;
	s2 =	sor.u32 s6, s25;
	v13 =	vor.u32 $0x100, v1;
	[tilespmem:s26+$0x0] =	vst v6  }
0xd6: {  	v14 =	vld [tilespmem:s2+$0x0];
	v6 =	vor.u32 v7, v12;
	[tilespmem:s9+$0x0] =	vst v8  }
0xd7: {  	v12 =	vshll.u32 v10, $0x2;
	v9 =	vld.idx.msk [tilespmem:v9+s21+$0x0], $0xffff  }
0xd8: {  	v10 =	vand.u32 $0x7F, v10;
	v8 =	vor.u32 $0x100, v3;
	v12 =	vand.u32 $0xFFFFFE00, v12  }
0xd9: {  	p1 =	por $0x0, $0x0;
	v10 =	vor.u32 v10, v12;
	v4 =	vld.idx.msk [tilespmem:v4+s21+$0x0], $0xffff;
	[tilespmem:s0+$0x80] =	vst v5;
	s0 =	simm.s32 $0x1  }
0xda: {  	v7 =	vor.u32 $0x100, v2;
	v13 =	vld.idx.msk [tilespmem:v13+s21+$0x0], $0xffff;
	s0 =	simm.s32 @!p1 $0x0  }
0xdb: {  	v1 =	vor.u32 $0x180, v1;
	v5 =	vshll.u32 v11, $0x2;
	v15 =	vld.idx.msk [tilespmem:v6+s21+$0x0], $0xffff;
	s0 =	sshll.u32 s0, $0x6  }
0xdc: {  	v12 =	vshll.u32 v14, $0x2;
	v11 =	vand.u32 $0x7F, v11;
	v5 =	vand.u32 $0xFFFFFE00, v5;
	s4 =	sadd.s32 $0x0, s0;
	[tilespmem:s9+$0x80] =	vst v9  }
0xdd: {  	v12 =	vand.u32 $0xFFFFFE00, v12;
	v5 =	vor.u32 v11, v5;
	v11 =	vand.u32 $0x7F, v14;
	s14 =	sadd.s32 $0x30, s4;
	v8 =	vld.idx.msk [tilespmem:v8+s21+$0x0], $0xffff  }
0xde: {  	[tilespmem:s26+$0x80] =	vst v4;
	v4 =	vor.u32 v11, v12;
	v11 =	vld.idx.msk [tilespmem:v10+s21+$0x0], $0xffff;
	s12 =	sor.u32 $0x100, s14  }
0xdf: {  	s24 =	simm.s32 $0x40;
	s25 =	simm.s32 $0x80;
	s2 =	sor.u32 s3, s10;
	v9 =	vor.u32 $0x80, v6;
	v7 =	vld.idx.msk [tilespmem:v7+s21+$0x0], $0xffff;
	[tilespmem:s12+$0xA900] =	vst v13  }
0xe0: {  	s10 =	sand.u32 $0x40, s25;
	[tilespmem:s2+$0x0] =	vst v15;
	v15 =	vld [tilespmem:s24+$0x0]  }
0xe1: {  	s16 =	simm.s32 $0x100;
	s11 =	sor.u32 $0x30, s10;
	s26 =	sand.u32 $0x780, s25;
	v12 =	vld.idx.msk [tilespmem:v1+s21+$0x0], $0xffff  }
0xe2: {  	s0 =	sand.u32 $0x1E00, s16;
	s12 =	sor.u32 s11, s26;
	v1 =	vor.u32 $0x80, v10;
	v13 =	vld.idx.msk [tilespmem:v5+s21+$0x0], $0xffff  }
0xe3: {  	v2 =	vor.u32 $0x180, v2;
	s3 =	sadd.s32 $0xA900, s0;
	v17 =	vld [tilespmem:s12+$0x0]  }
0xe4: {  	s9 =	sadd.s32 $0x10, s4;
	s25 =	sor.u32 $0x10, s10;
	s0 =	sor.u32 s7, s3;
	v9 =	vld.idx.msk [tilespmem:v9+s21+$0x0], $0xffff  }
0xe5: {  	s16 =	sor.u32 $0x100, s9;
	s24 =	sor.u32 s25, s26;
	v14 =	vld.idx.msk [tilespmem:v4+s21+$0x0], $0xffff;
	[tilespmem:s0+$0x0] =	vst v11;
	v11 =	vor.u32 $0x80, v5  }
0xe6: {  	v16 =	vor.u32 $0x80, v4;
	[tilespmem:s16+$0xA900] =	vst v7;
	v7 =	vld [tilespmem:s24+$0x0]  }
0xe7: {  	v18 =	vor.u32 $0x100, v6;
	s12 =	sor.u32 $0x20, s10;
	v1 =	vld.idx.msk [tilespmem:v1+s21+$0x0], $0xffff  }
0xe8: {  	v20 =	vor.u32 $0x100, v10;
	s5 =	sor.u32 s5, s3;
	s7 =	sor.u32 s12, s26;
	v19 =	vld.idx.msk [tilespmem:v2+s21+$0x0], $0xffff;
	v2 =	vshll.u32 v15, $0x2  }
0xe9: {  	v3 =	vor.u32 $0x180, v3;
	s6 =	sor.u32 s6, s3;
	v21 =	vld [tilespmem:s7+$0x0];
	v15 =	vand.u32 $0x7F, v15;
	v2 =	vand.u32 $0xFFFFFE00, v2;
	[tilespmem:s5+$0x0] =	vst v13  }
0xea: {  	v13 =	vor.u32 v15, v2;
	v2 =	vld.idx.msk [tilespmem:v11+s21+$0x0], $0xffff;
	[tilespmem:s6+$0x0] =	vst v14  }
0xeb: {  	s16 =	sadd.s32 $0x20, s4;
	v15 =	vor.u32 $0x100, v4;
	[tilespmem:s2+$0x80] =	vst v9;
	v9 =	vshll.u32 v17, $0x2;
	v11 =	vor.u32 $0x100, v5;
	v16 =	vld.idx.msk [tilespmem:v16+s21+$0x0], $0xffff  }
0xec: {  	p1 =	por !p1, !p1;
	s24 =	sor.u32 $0x100, s16;
	v22 =	vld.idx.msk [tilespmem:v18+s21+$0x0], $0xffff;
	v14 =	vand.u32 $0x7F, v17;
	v9 =	vand.u32 $0xFFFFFE00, v9;
	[tilespmem:s0+$0x80] =	vst v1;
	v1 =	vshll.u32 v7, $0x2;
	s0 =	simm.s32 $0x1  }
0xed: {  	s26 =	sor.u32 $0x180, s14;
	[tilespmem:s24+$0xA900] =	vst v8;
	v8 =	vld.idx.msk [tilespmem:v20+s21+$0x0], $0xffff;
	v17 =	vand.u32 $0xFFFFFE00, v1;
	v1 =	vor.u32 v14, v9;
	s0 =	simm.s32 @!p1 $0x0  }
0xee: {  	[tilespmem:s26+$0xA900] =	vst v12;
	v9 =	vshll.u32 v21, $0x2;
	v20 =	vld.idx.msk [tilespmem:v3+s21+$0x0], $0xffff;
	v3 =	vand.u32 $0x7F, v7;
	v7 =	vor.u32 $0x180, v10;
	s0 =	sshll.u32 s0, $0x6  }
0xef: {  	s30 =	simm.s32 $0xC0;
	s28 =	sor.u32 $0x180, s4;
	v23 =	vld.idx.msk [tilespmem:v13+s21+$0x0], $0xffff;
	v9 =	vand.u32 $0xFFFFFE00, v9;
	v24 =	vor.u32 v3, v17;
	v3 =	vand.u32 $0x7F, v21;
	[tilespmem:s5+$0x80] =	vst v2;
	s0 =	sadd.s32 $0x100, s0  }
0xf0: {  	s9 =	sor.u32 $0x180, s9;
	s5 =	sor.u32 $0x180, s16;
	v21 =	vor.u32 v3, v9;
	v14 =	vld.idx.msk [tilespmem:v11+s21+$0x0], $0xffff;
	[tilespmem:s6+$0x80] =	vst v16;
	s16 =	sadd.s32 $0x30, s0  }
0xf1: {  	s3 =	sor.u32 s1, s3;
	s2 =	sor.u32 $0x100, s4;
	v4 =	vor.u32 $0x180, v4;
	[tilespmem:s9+$0xA900] =	vst v19;
	v15 =	vld.idx.msk [tilespmem:v15+s21+$0x0], $0xffff;
	s9 =	sor.u32 $0x100, s16  }
0xf2: {  	s4 =	simm.s32 $0x8;
	v5 =	vor.u32 $0x180, v5;
	v10 =	vor.u32 $0x80, v13;
	v2 =	vor.u32 $0x180, v6;
	s6 =	sadd.s32 $0x10, s0;
	s24 =	sadd.s32 $0x20, s0;
	v18 =	vld.idx.msk [tilespmem:v1+s21+$0x0], $0xffff;
	[tilespmem:s9+$0xA900] =	vst v8  }
0xf3: {  	v6 =	vor.u32 $0x100, v13;
	[tilespmem:s2+$0xA900] =	vst v22;
	v3 =	vor.u32 $0x180, v13;
	v11 =	vor.u32 $0x80, v24;
	s31 =	sor.u32 $0x100, s0;
	s7 =	sor.u32 $0x180, s0;
	s0 =	simm.s32 $0x80;
	v17 =	vld.idx.msk [tilespmem:v7+s21+$0x0], $0xffff  }
0xf4: {  	v12 =	vor.u32 $0x180, v24;
	v13 =	vor.u32 $0x80, v21;
	s14 =	sor.u32 $0x100, s6;
	s26 =	sor.u32 $0x100, s24;
	[tilespmem:s5+$0xA900] =	vst v20;
	s5 =	simm.s32 $0x200;
	v20 =	vor.u32 $0x80, v1;
	v16 =	vld.idx.msk [tilespmem:v24+s21+$0x0], $0xffff  }
0xf5: {  	v9 =	vor.u32 $0x180, v21;
	s6 =	sor.u32 $0x180, s6;
	s1 =	sor.u32 $0x180, s24;
	v8 =	vor.u32 $0x100, v21;
	[tilespmem:s3+$0x0] =	vst v23;
	v7 =	vor.u32 $0x100, v24;
	s29 =	sand.u32 $0x1E00, s5;
	v19 =	vld.idx.msk [tilespmem:v21+s21+$0x0], $0xffff  }
.LBB2_9:
0xf6: {  	s2 =	sand.u32 $0x780, s30;
	v21 =	vld [tilespmem:s0+$0x0];
	s0 =	sadd.s32 $0xA900, s29;
	[tilespmem:s14+$0xA900] =	vst v14;
	s24 =	smov.u32 s28  }
0xf7: {  	s9 =	sand.u32 $0x40, s30;
	s4 =	sadd.s32 $0x4, s4;
	s14 =	sor.u32 s11, s0;
	v14 =	vld.idx.msk [tilespmem:v10+s21+$0x0], $0xffff;
	[tilespmem:s26+$0xA900] =	vst v15  }
0xf8: {  	s16 =	sor.u32 $0x180, s16;
	s11 =	sor.u32 $0x30, s9;
	p3 =	slt.u32 s4, $0x7C;
	[tilespmem:s14+$0x0] =	vst v18;
	v15 =	vld.idx.msk [tilespmem:v5+s21+$0x0], $0xffff;
	v5 =	vmov v12  }
0xf9: {  	s26 =	sor.u32 $0x10, s9;
	s28 =	sor.u32 $0x20, s9;
	s29 =	sor.u32 s11, s2;
	v12 =	vld.idx.msk [tilespmem:v20+s21+$0x0], $0xffff;
	[tilespmem:s16+$0xA900] =	vst v17  }
0xfa: {  	s16 =	sor.u32 s26, s2;
	s2 =	sor.u32 s28, s2;
	v17 =	vld [tilespmem:s29+$0x0];
	s29 =	sor.u32 s10, s0  }
0xfb: {  	s10 =	smov.u32 s9;
	v18 =	vld [tilespmem:s16+$0x0];
	v10 =	vand.u32 $0x7F, v21;
	v20 =	vshll.u32 v21, $0x2;
	s16 =	sor.u32 s25, s0;
	s0 =	sor.u32 s12, s0;
	v21 =	vor.u32 $0x100, v1  }
0xfc: {  	s25 =	smov.u32 s26;
	s12 =	smov.u32 s28;
	s28 =	smov.u32 s7;
	v22 =	vld [tilespmem:s2+$0x0];
	v20 =	vand.u32 $0xFFFFFE00, v20;
	[tilespmem:s16+$0x0] =	vst v16  }
0xfd: {  	v16 =	vor.u32 v10, v20;
	v11 =	vld.idx.msk [tilespmem:v11+s21+$0x0], $0xffff;
	[tilespmem:s0+$0x0] =	vst v19  }
0xfe: {  	v10 =	vor.u32 $0x80, v16;
	v19 =	vor.u32 $0x100, v16;
	v20 =	vor.u32 $0x180, v16;
	v13 =	vld.idx.msk [tilespmem:v13+s21+$0x0], $0xffff;
	[tilespmem:s3+$0x80] =	vst v14;
	s3 =	smov.u32 s29  }
0xff: {  	p1 =	por !p1, !p1;
	s2 =	simm.s32 $0x1;
	v14 =	vshll.u32 v17, $0x2;
	[tilespmem:s14+$0x80] =	vst v12;
	v23 =	vld.idx.msk [tilespmem:v6+s21+$0x0], $0xffff;
	v6 =	vmov v19  }
0x100: {  	s2 =	simm.s32 @!p1 $0x0;
	v17 =	vand.u32 $0x7F, v17;
	v12 =	vshll.u32 v18, $0x2;
	v14 =	vand.u32 $0xFFFFFE00, v14;
	v19 =	vld.idx.msk [tilespmem:v21+s21+$0x0], $0xffff;
	[tilespmem:s6+$0xA900] =	vst v15  }
0x101: {  	s2 =	sshll.u32 s2, $0x6;
	v12 =	vand.u32 $0xFFFFFE00, v12;
	v15 =	vshll.u32 v22, $0x2;
	v17 =	vor.u32 v17, v14;
	v21 =	vld.idx.msk [tilespmem:v4+s21+$0x0], $0xffff;
	v4 =	vmovc v9  }
0x102: {  	s2 =	sadd.s32 s2, s5;
	v9 =	vand.u32 $0x7F, v18;
	v14 =	vand.u32 $0xFFFFFE00, v15;
	v24 =	vld.idx.msk [tilespmem:v16+s21+$0x0], $0xffff;
	v16 =	vor.u32 $0x180, v1;
	v1 =	vmovc v17  }
0x103: {  	s6 =	sadd.s32 $0x10, s2;
	v25 =	vor.u32 v9, v12;
	v9 =	vand.u32 $0x7F, v22;
	[tilespmem:s16+$0x80] =	vst v11;
	v22 =	vld.idx.msk [tilespmem:v2+s21+$0x0], $0xffff;
	v2 =	vmovc v3;
	v3 =	vmov v20  }
0x104: {  	s14 =	sor.u32 $0x100, s6;
	v11 =	vor.u32 $0x80, v25;
	v26 =	vor.u32 v9, v14;
	s16 =	sadd.s32 $0x30, s2;
	v14 =	vld.idx.msk [tilespmem:v7+s21+$0x0], $0xffff;
	v7 =	vor.u32 $0x100, v25;
	[tilespmem:s0+$0x80] =	vst v13;
	s0 =	sadd.s32 $0x20, s2  }
.Ltmp6:
0x105: {  	v12 =	vor.u32 $0x180, v25;
	v13 =	vor.u32 $0x80, v26;
	s7 =	sor.u32 $0x100, s16;
	v15 =	vld.idx.msk [tilespmem:v8+s21+$0x0], $0xffff;
	v8 =	vor.u32 $0x100, v26;
	s26 =	sor.u32 $0x100, s0;
	[tilespmem:s31+$0xA900] =	vst v23;
	(pc) =	sbr.rel @p3 .LBB2_9-.Ltmp6, $4  }
0x106: {  	s6 =	sor.u32 $0x180, s6;
	v9 =	vor.u32 $0x180, v26;
	s31 =	sor.u32 $0x100, s2;
	s0 =	sor.u32 $0x180, s0;
	v18 =	vld.idx.msk [tilespmem:v17+s21+$0x0], $0xffff;
	[tilespmem:s7+$0xA900] =	vst v19  }
0x107: {  	s7 =	sor.u32 $0x180, s2;
	v17 =	vld.idx.msk [tilespmem:v16+s21+$0x0], $0xffff;
	[tilespmem:s1+$0xA900] =	vst v21;
	s1 =	smov.u32 s0  }
0x108: {  	s5 =	sadd.s32 $0x100, s5;
	v20 =	vor.u32 $0x80, v1;
	v16 =	vld.idx.msk [tilespmem:v25+s21+$0x0], $0xffff;
	[tilespmem:s3+$0x0] =	vst v24  }
0x109: {  	s30 =	sadd.s32 $0x40, s30;
	s29 =	sand.u32 $0x1E00, s5;
	s0 =	sshra.s32 s5, $0x2;
	v19 =	vld.idx.msk [tilespmem:v26+s21+$0x0], $0xffff;
	[tilespmem:s24+$0xA900] =	vst v22  }
0x10a: {  	v21 =	vld [tilespmem:s0+$0x0];
	_ =	sdelay $0x4  }
0x10b: {  	v22 =	vshll.u32 v21, $0x2  }
0x10c: {  	v21 =	vand.u32 $0x7F, v21;
	v22 =	vand.u32 $0xFFFFFE00, v22  }
0x10d: {  	v21 =	vor.u32 v21, v22;
	_ =	sdelay $0x3  }
0x10e: {  	s24 =	sadd.s32 $0xA900, s29;
	[tilespmem:s14+$0xA900] =	vst v14;
	v10 =	vld.idx.msk [tilespmem:v10+s21+$0x0], $0xffff  }
0x10f: {  	[tilespmem:s26+$0xA900] =	vst v15;
	s2 =	sor.u32 s11, s24;
	v14 =	vld.idx.msk [tilespmem:v21+s21+$0x0], $0xffff  }
0x110: {  	s9 =	sor.u32 s12, s24;
	v5 =	vld.idx.msk [tilespmem:v5+s21+$0x0], $0xffff;
	[tilespmem:s2+$0x0] =	vst v18;
	v15 =	vor.u32 $0x80, v21  }
0x111: {  	s4 =	sor.u32 s25, s24;
	v18 =	vld.idx.msk [tilespmem:v20+s21+$0x0], $0xffff;
	[tilespmem:s9+$0x0] =	vst v19  }
0x112: {  	[tilespmem:s4+$0x0] =	vst v16;
	v13 =	vld.idx.msk [tilespmem:v13+s21+$0x0], $0xffff  }
0x113: {  	s0 =	sor.u32 s10, s24;
	v11 =	vld.idx.msk [tilespmem:v11+s21+$0x0], $0xffff;
	[tilespmem:s3+$0x80] =	vst v10  }
0x114: {  	[tilespmem:s0+$0x0] =	vst v14  }
0x115: {  	v16 =	vor.u32 $0x100, v1;
	[tilespmem:s6+$0xA900] =	vst v5;
	v10 =	vld.idx.msk [tilespmem:v15+s21+$0x0], $0xffff  }
0x116: {  	v6 =	vld.idx.msk [tilespmem:v6+s21+$0x0], $0xffff;
	[tilespmem:s2+$0x80] =	vst v18;
	v14 =	vor.u32 $0x100, v21  }
0x117: {  	p1 =	por !p1, !p1;
	v4 =	vld.idx.msk [tilespmem:v4+s21+$0x0], $0xffff;
	s2 =	simm.s32 $0x1;
	[tilespmem:s9+$0x80] =	vst v13  }
0x118: {  	s12 =	sor.u32 $0x180, s16;
	s2 =	simm.s32 @!p1 $0x0;
	[tilespmem:s4+$0x80] =	vst v11;
	v5 =	vld.idx.msk [tilespmem:v8+s21+$0x0], $0xffff  }
0x119: {  	[tilespmem:s12+$0xA900] =	vst v17;
	s2 =	sshll.u32 s2, $0x6;
	v7 =	vld.idx.msk [tilespmem:v7+s21+$0x0], $0xffff  }
0x11a: {  	s2 =	sadd.s32 s2, s5;
	v15 =	vld.idx.msk [tilespmem:v16+s21+$0x0], $0xffff;
	[tilespmem:s0+$0x80] =	vst v10  }
0x11b: {  	v1 =	vor.u32 $0x180, v1;
	[tilespmem:s31+$0xA900] =	vst v6;
	s5 =	sadd.s32 $0x20, s2;
	v6 =	vld.idx.msk [tilespmem:v14+s21+$0x0], $0xffff  }
0x11c: {  	v2 =	vld.idx.msk [tilespmem:v2+s21+$0x0], $0xffff;
	[tilespmem:s1+$0xA900] =	vst v4;
	v8 =	vor.u32 $0x180, v21;
	s16 =	sadd.s32 $0x10, s2;
	s26 =	sor.u32 $0x100, s5  }
0x11d: {  	s14 =	sadd.s32 $0x30, s2;
	v3 =	vld.idx.msk [tilespmem:v3+s21+$0x0], $0xffff;
	s25 =	sor.u32 $0x100, s16;
	[tilespmem:s26+$0xA900] =	vst v5  }
0x11e: {  	s24 =	sor.u32 $0x100, s14;
	[tilespmem:s25+$0xA900] =	vst v7;
	v4 =	vld.idx.msk [tilespmem:v9+s21+$0x0], $0xffff  }
0x11f: {  	s6 =	sor.u32 $0x100, s2;
	v5 =	vld.idx.msk [tilespmem:v12+s21+$0x0], $0xffff;
	[tilespmem:s24+$0xA900] =	vst v15  }
0x120: {  	v1 =	vld.idx.msk [tilespmem:v1+s21+$0x0], $0xffff;
	[tilespmem:s6+$0xA900] =	vst v6  }
0x121: {  	[tilespmem:s28+$0xA900] =	vst v2;
	v2 =	vld.idx.msk [tilespmem:v8+s21+$0x0], $0xffff  }
0x122: {  	s10 =	sor.u32 $0x180, s5;
	[tilespmem:s7+$0xA900] =	vst v3  }
0x123: {  	[tilespmem:s10+$0xA900] =	vst v4;
	s0 =	sor.u32 $0x180, s16  }
0x124: {  	s9 =	sor.u32 $0x180, s14;
	[tilespmem:s0+$0xA900] =	vst v5  }
0x125: {  	s11 =	sor.u32 $0x180, s2;
	[tilespmem:s9+$0xA900] =	vst v1  }
0x126: {  	s12 =	sadd.s32 s8, s15;
	s14 =	simm.s32 $0xA900;
	[tilespmem:s11+$0xA900] =	vst v2  }
0x127: {  	[hbm4b:s12+s18] =	stream.strided.scatter [tilespmem:s14], [sflag:$0x6], $0x2000, s19, s18, $0x38;
	[tilespmem:$0x10900] =	vst v63  }
0x128: {  	p1 =	seq.s32 s13, $0xF;
	s0 =	rddreg [dreg:$0xd]  }
0x129: {  	s0 =	sadd.s32 @!p1 s17, s0  }
0x12a: {  	s3 =	simm.s32 @!p1 $0x2900;
	s0 =	sshll.u32 @!p1 s0, $0x8  }
0x12b: {  	s2 =	simm.s32 @!p1 $0x400;
	s1 =	rddreg [dreg:$0x8];
	s0 =	sand.u32 @!p1 $0x3FF000, s0  }
0x12c: {  	s16 =	simm.s32 $0x3;
	s0 =	sadd.s32 @!p1 s0, s1;
	s1 =	simm.s32 @!p1 $0x200  }
0x12d: {  	[tilespmem:s3], [sflag:$0x2] =	stream.strided.gather @!p1 [hbm4b:s0+s1], $0x2000, s2, s1, $0x38;
	[tilespmem:$0x10900] =	vst v63  }
0x12e: {  	_ =	swait.ge [sflag:s16], $0x2000  }
0x12f: {  	[sflag:s16] =	ssyncset.done $0x0  }
0x130: {  	s24 =	simm.s32 $0x0;
	s0 =	simm.s32 @!p0 $0x7;
	[sflag:s16] =	ssyncadd.s32 $0xFFFFE000  }
0x131: {  	s3 =	sand.u32 $0x40, s24;
	_ =	swait.ge @!p0 [sflag:s0], $0x2000  }
0x132: {  	s25 =	sand.u32 $0x780, s24;
	s26 =	sor.u32 $0x30, s3;
	[sflag:s0] =	ssyncset.done @!p0 $0x0  }
0x133: {  	s7 =	sor.u32 s26, s25;
	[sflag:s0] =	ssyncadd.s32 @!p0 $0xFFFFE000  }
0x134: {  	s8 =	sor.u32 $0x10, s3;
	v1 =	vld [tilespmem:s7+$0x0]  }
0x135: {  	s6 =	sor.u32 s8, s25;
	s7 =	sor.u32 $0x20, s3  }
0x136: {  	v2 =	vld [tilespmem:s6+$0x0];
	s2 =	sor.u32 s7, s25  }
0x137: {  	v3 =	vld [tilespmem:s2+$0x0];
	_ =	sdelay $0x1  }
0x138: {  	v4 =	vshll.u32 v1, $0x2  }
0x139: {  	v1 =	vand.u32 $0x7F, v1;
	v4 =	vand.u32 $0xFFFFFE00, v4  }
0x13a: {  	v1 =	vor.u32 v1, v4;
	v4 =	vshll.u32 v2, $0x2  }
0x13b: {  	v2 =	vand.u32 $0x7F, v2;
	v5 =	vshll.u32 v3, $0x2;
	v4 =	vand.u32 $0xFFFFFE00, v4  }
0x13c: {  	v3 =	vand.u32 $0x7F, v3;
	v2 =	vor.u32 v2, v4;
	v4 =	vand.u32 $0xFFFFFE00, v5  }
0x13d: {  	v3 =	vor.u32 v3, v4  }
0x13e: {  	s10 =	simm.s32 $0x0  }
0x13f: {  	s11 =	simm.s32 $0x40;
	s1 =	sand.u32 $0x1E00, s24;
	v7 =	vld [tilespmem:s10+$0x0]  }
0x140: {  	s12 =	sadd.s32 $0xC900, s1;
	s1 =	sand.u32 $0x40, s11;
	v4 =	vld.idx.msk [tilespmem:v1+s22+$0x0], $0xffff  }
0x141: {  	s24 =	sor.u32 $0x30, s1;
	s16 =	sand.u32 $0x780, s11;
	v6 =	vld.idx.msk [tilespmem:v2+s22+$0x0], $0xffff  }
0x142: {  	s25 =	sor.u32 s24, s16;
	v5 =	vor.u32 $0x80, v1;
	v8 =	vld.idx.msk [tilespmem:v3+s22+$0x0], $0xffff  }
0x143: {  	s5 =	sor.u32 $0x10, s1;
	v10 =	vld [tilespmem:s25+$0x0];
	v9 =	vor.u32 $0x80, v3  }
0x144: {  	s14 =	sor.u32 s26, s12;
	s26 =	sor.u32 s5, s16;
	s6 =	sor.u32 $0x20, s1  }
0x145: {  	s0 =	sor.u32 s8, s12;
	v11 =	vld [tilespmem:s26+$0x0];
	s4 =	sor.u32 s6, s16;
	v12 =	vshll.u32 v7, $0x2;
	[tilespmem:s14+$0x0] =	vst v4;
	v4 =	vor.u32 $0x80, v2  }
0x146: {  	s8 =	sor.u32 s7, s12;
	v14 =	vld [tilespmem:s4+$0x0];
	v7 =	vand.u32 $0x7F, v7;
	v12 =	vand.u32 $0xFFFFFE00, v12;
	[tilespmem:s0+$0x0] =	vst v6  }
0x147: {  	v5 =	vld.idx.msk [tilespmem:v5+s22+$0x0], $0xffff;
	v6 =	vor.u32 v7, v12;
	[tilespmem:s8+$0x0] =	vst v8  }
0x148: {  	v13 =	vor.u32 $0x100, v1;
	v12 =	vshll.u32 v10, $0x2;
	v9 =	vld.idx.msk [tilespmem:v9+s22+$0x0], $0xffff  }
0x149: {  	v10 =	vand.u32 $0x7F, v10;
	v8 =	vor.u32 $0x100, v3;
	v12 =	vand.u32 $0xFFFFFE00, v12  }
0x14a: {  	v10 =	vor.u32 v10, v12;
	v4 =	vld.idx.msk [tilespmem:v4+s22+$0x0], $0xffff  }
0x14b: {  	p3 =	por $0x0, $0x0;
	s2 =	simm.s32 $0x1;
	v7 =	vor.u32 $0x100, v2  }
0x14c: {  	s2 =	simm.s32 @!p3 $0x0;
	v1 =	vor.u32 $0x180, v1;
	[tilespmem:s14+$0x80] =	vst v5;
	v5 =	vshll.u32 v11, $0x2;
	v15 =	vld.idx.msk [tilespmem:v6+s22+$0x0], $0xffff  }
0x14d: {  	s11 =	simm.s32 $0x100;
	s2 =	sshll.u32 s2, $0x6;
	v12 =	vshll.u32 v14, $0x2;
	v11 =	vand.u32 $0x7F, v11;
	v13 =	vld.idx.msk [tilespmem:v13+s22+$0x0], $0xffff;
	v5 =	vand.u32 $0xFFFFFE00, v5;
	[tilespmem:s8+$0x80] =	vst v9  }
0x14e: {  	s4 =	sadd.s32 $0x0, s2;
	s2 =	sor.u32 s3, s12;
	v12 =	vand.u32 $0xFFFFFE00, v12;
	s14 =	simm.s32 $0x80;
	v5 =	vor.u32 v11, v5;
	v11 =	vand.u32 $0x7F, v14;
	v8 =	vld.idx.msk [tilespmem:v8+s22+$0x0], $0xffff  }
0x14f: {  	s12 =	simm.s32 $0x40;
	s10 =	sand.u32 $0x40, s14;
	s7 =	sand.u32 $0x780, s14;
	[tilespmem:s0+$0x80] =	vst v4;
	v4 =	vor.u32 v11, v12;
	v11 =	vld.idx.msk [tilespmem:v10+s22+$0x0], $0xffff  }
0x150: {  	s8 =	sadd.s32 $0x30, s4;
	v9 =	vor.u32 $0x80, v6;
	s0 =	sand.u32 $0x1E00, s11;
	s11 =	sor.u32 $0x30, s10;
	v7 =	vld.idx.msk [tilespmem:v7+s22+$0x0], $0xffff  }
0x151: {  	s9 =	sor.u32 $0x100, s8;
	s16 =	sor.u32 s11, s7;
	[tilespmem:s2+$0x0] =	vst v15;
	v15 =	vld [tilespmem:s12+$0x0]  }
0x152: {  	[tilespmem:s9+$0xC900] =	vst v13;
	v17 =	vld [tilespmem:s16+$0x0]  }
0x153: {  	v12 =	vld.idx.msk [tilespmem:v1+s22+$0x0], $0xffff;
	v1 =	vor.u32 $0x80, v10  }
0x154: {  	v2 =	vor.u32 $0x180, v2;
	s3 =	sadd.s32 $0xC900, s0;
	v13 =	vld.idx.msk [tilespmem:v5+s22+$0x0], $0xffff  }
0x155: {  	s25 =	sor.u32 $0x10, s10;
	s0 =	sor.u32 s24, s3;
	s9 =	sadd.s32 $0x10, s4;
	v9 =	vld.idx.msk [tilespmem:v9+s22+$0x0], $0xffff  }
0x156: {  	s26 =	sor.u32 s25, s7;
	s24 =	sor.u32 $0x100, s9;
	v14 =	vld.idx.msk [tilespmem:v4+s22+$0x0], $0xffff;
	[tilespmem:s0+$0x0] =	vst v11;
	v11 =	vor.u32 $0x80, v5  }
0x157: {  	v16 =	vor.u32 $0x80, v4;
	[tilespmem:s24+$0xC900] =	vst v7;
	v7 =	vld [tilespmem:s26+$0x0]  }
0x158: {  	v18 =	vor.u32 $0x100, v6;
	s12 =	sor.u32 $0x20, s10;
	v1 =	vld.idx.msk [tilespmem:v1+s22+$0x0], $0xffff  }
0x159: {  	v20 =	vor.u32 $0x100, v10;
	s5 =	sor.u32 s5, s3;
	s7 =	sor.u32 s12, s7;
	v19 =	vld.idx.msk [tilespmem:v2+s22+$0x0], $0xffff;
	v2 =	vshll.u32 v15, $0x2  }
0x15a: {  	v3 =	vor.u32 $0x180, v3;
	s6 =	sor.u32 s6, s3;
	v21 =	vld [tilespmem:s7+$0x0];
	v15 =	vand.u32 $0x7F, v15;
	v2 =	vand.u32 $0xFFFFFE00, v2;
	[tilespmem:s5+$0x0] =	vst v13  }
0x15b: {  	v13 =	vor.u32 v15, v2;
	v2 =	vld.idx.msk [tilespmem:v11+s22+$0x0], $0xffff;
	[tilespmem:s6+$0x0] =	vst v14  }
0x15c: {  	s14 =	sadd.s32 $0x20, s4;
	v15 =	vor.u32 $0x100, v4;
	[tilespmem:s2+$0x80] =	vst v9;
	v9 =	vshll.u32 v17, $0x2;
	v11 =	vor.u32 $0x100, v5;
	v16 =	vld.idx.msk [tilespmem:v16+s22+$0x0], $0xffff  }
0x15d: {  	p3 =	por !p3, !p3;
	s16 =	sor.u32 $0x100, s14;
	v22 =	vld.idx.msk [tilespmem:v18+s22+$0x0], $0xffff;
	v14 =	vand.u32 $0x7F, v17;
	v9 =	vand.u32 $0xFFFFFE00, v9;
	[tilespmem:s0+$0x80] =	vst v1;
	v1 =	vshll.u32 v7, $0x2;
	s0 =	simm.s32 $0x1  }
0x15e: {  	[tilespmem:s16+$0xC900] =	vst v8;
	s24 =	sor.u32 $0x180, s8;
	v8 =	vld.idx.msk [tilespmem:v20+s22+$0x0], $0xffff;
	v17 =	vand.u32 $0xFFFFFE00, v1;
	v1 =	vor.u32 v14, v9;
	s0 =	simm.s32 @!p3 $0x0  }
0x15f: {  	s30 =	simm.s32 $0xC0;
	s26 =	rddreg [dreg:$0x5];
	[tilespmem:s24+$0xC900] =	vst v12;
	v9 =	vshll.u32 v21, $0x2;
	v20 =	vld.idx.msk [tilespmem:v3+s22+$0x0], $0xffff;
	v3 =	vand.u32 $0x7F, v7;
	v7 =	vor.u32 $0x180, v10;
	s0 =	sshll.u32 s0, $0x6  }
0x160: {  	s28 =	sor.u32 $0x180, s4;
	s3 =	sor.u32 s1, s3;
	v23 =	vld.idx.msk [tilespmem:v13+s22+$0x0], $0xffff;
	v9 =	vand.u32 $0xFFFFFE00, v9;
	v24 =	vor.u32 v3, v17;
	v3 =	vand.u32 $0x7F, v21;
	[tilespmem:s5+$0x80] =	vst v2;
	s0 =	sadd.s32 $0x100, s0  }
0x161: {  	s9 =	sor.u32 $0x180, s9;
	s2 =	sor.u32 $0x100, s4;
	v21 =	vor.u32 v3, v9;
	v14 =	vld.idx.msk [tilespmem:v11+s22+$0x0], $0xffff;
	[tilespmem:s6+$0x80] =	vst v16;
	s16 =	sadd.s32 $0x30, s0  }
0x162: {  	s4 =	simm.s32 $0x8;
	v4 =	vor.u32 $0x180, v4;
	[tilespmem:s9+$0xC900] =	vst v19;
	s8 =	sor.u32 s17, s26;
	v15 =	vld.idx.msk [tilespmem:v15+s22+$0x0], $0xffff;
	s9 =	sor.u32 $0x100, s16  }
0x163: {  	v5 =	vor.u32 $0x180, v5;
	v10 =	vor.u32 $0x80, v13;
	s5 =	sor.u32 $0x180, s14;
	v2 =	vor.u32 $0x180, v6;
	s6 =	sadd.s32 $0x10, s0;
	s24 =	sadd.s32 $0x20, s0;
	v18 =	vld.idx.msk [tilespmem:v1+s22+$0x0], $0xffff;
	[tilespmem:s9+$0xC900] =	vst v8  }
0x164: {  	v6 =	vor.u32 $0x100, v13;
	[tilespmem:s2+$0xC900] =	vst v22;
	v3 =	vor.u32 $0x180, v13;
	v11 =	vor.u32 $0x80, v24;
	s31 =	sor.u32 $0x100, s0;
	s7 =	sor.u32 $0x180, s0;
	s0 =	simm.s32 $0x80;
	v17 =	vld.idx.msk [tilespmem:v7+s22+$0x0], $0xffff  }
0x165: {  	v12 =	vor.u32 $0x180, v24;
	v13 =	vor.u32 $0x80, v21;
	s14 =	sor.u32 $0x100, s6;
	s26 =	sor.u32 $0x100, s24;
	[tilespmem:s5+$0xC900] =	vst v20;
	s5 =	simm.s32 $0x200;
	v20 =	vor.u32 $0x80, v1;
	v16 =	vld.idx.msk [tilespmem:v24+s22+$0x0], $0xffff  }
0x166: {  	v9 =	vor.u32 $0x180, v21;
	s6 =	sor.u32 $0x180, s6;
	s1 =	sor.u32 $0x180, s24;
	v8 =	vor.u32 $0x100, v21;
	[tilespmem:s3+$0x0] =	vst v23;
	v7 =	vor.u32 $0x100, v24;
	s29 =	sand.u32 $0x1E00, s5;
	v19 =	vld.idx.msk [tilespmem:v21+s22+$0x0], $0xffff  }
.LBB2_11:
0x167: {  	s2 =	sand.u32 $0x780, s30;
	v21 =	vld [tilespmem:s0+$0x0];
	s0 =	sadd.s32 $0xC900, s29;
	[tilespmem:s14+$0xC900] =	vst v14;
	s24 =	smov.u32 s28  }
0x168: {  	s9 =	sand.u32 $0x40, s30;
	s4 =	sadd.s32 $0x4, s4;
	s14 =	sor.u32 s11, s0;
	v14 =	vld.idx.msk [tilespmem:v10+s22+$0x0], $0xffff;
	[tilespmem:s26+$0xC900] =	vst v15  }
0x169: {  	s16 =	sor.u32 $0x180, s16;
	s11 =	sor.u32 $0x30, s9;
	p4 =	slt.u32 s4, $0x7C;
	[tilespmem:s14+$0x0] =	vst v18;
	v15 =	vld.idx.msk [tilespmem:v5+s22+$0x0], $0xffff;
	v5 =	vmov v12  }
0x16a: {  	s26 =	sor.u32 $0x10, s9;
	s28 =	sor.u32 $0x20, s9;
	s29 =	sor.u32 s11, s2;
	v12 =	vld.idx.msk [tilespmem:v20+s22+$0x0], $0xffff;
	[tilespmem:s16+$0xC900] =	vst v17  }
0x16b: {  	s16 =	sor.u32 s26, s2;
	s2 =	sor.u32 s28, s2;
	v17 =	vld [tilespmem:s29+$0x0];
	s29 =	sor.u32 s10, s0  }
0x16c: {  	s10 =	smov.u32 s9;
	v18 =	vld [tilespmem:s16+$0x0];
	v10 =	vand.u32 $0x7F, v21;
	v20 =	vshll.u32 v21, $0x2;
	s16 =	sor.u32 s25, s0;
	s0 =	sor.u32 s12, s0;
	v21 =	vor.u32 $0x100, v1  }
0x16d: {  	s25 =	smov.u32 s26;
	s12 =	smov.u32 s28;
	s28 =	smov.u32 s7;
	v22 =	vld [tilespmem:s2+$0x0];
	v20 =	vand.u32 $0xFFFFFE00, v20;
	[tilespmem:s16+$0x0] =	vst v16  }
0x16e: {  	v16 =	vor.u32 v10, v20;
	v11 =	vld.idx.msk [tilespmem:v11+s22+$0x0], $0xffff;
	[tilespmem:s0+$0x0] =	vst v19  }
0x16f: {  	v10 =	vor.u32 $0x80, v16;
	v19 =	vor.u32 $0x100, v16;
	v20 =	vor.u32 $0x180, v16;
	v13 =	vld.idx.msk [tilespmem:v13+s22+$0x0], $0xffff;
	[tilespmem:s3+$0x80] =	vst v14;
	s3 =	smov.u32 s29  }
0x170: {  	p3 =	por !p3, !p3;
	s2 =	simm.s32 $0x1;
	v14 =	vshll.u32 v17, $0x2;
	[tilespmem:s14+$0x80] =	vst v12;
	v23 =	vld.idx.msk [tilespmem:v6+s22+$0x0], $0xffff;
	v6 =	vmov v19  }
0x171: {  	s2 =	simm.s32 @!p3 $0x0;
	v17 =	vand.u32 $0x7F, v17;
	v12 =	vshll.u32 v18, $0x2;
	v14 =	vand.u32 $0xFFFFFE00, v14;
	v19 =	vld.idx.msk [tilespmem:v21+s22+$0x0], $0xffff;
	[tilespmem:s6+$0xC900] =	vst v15  }
0x172: {  	s2 =	sshll.u32 s2, $0x6;
	v12 =	vand.u32 $0xFFFFFE00, v12;
	v15 =	vshll.u32 v22, $0x2;
	v17 =	vor.u32 v17, v14;
	v21 =	vld.idx.msk [tilespmem:v4+s22+$0x0], $0xffff;
	v4 =	vmovc v9  }
0x173: {  	s2 =	sadd.s32 s2, s5;
	v9 =	vand.u32 $0x7F, v18;
	v14 =	vand.u32 $0xFFFFFE00, v15;
	v24 =	vld.idx.msk [tilespmem:v16+s22+$0x0], $0xffff;
	v16 =	vor.u32 $0x180, v1;
	v1 =	vmovc v17  }
0x174: {  	s6 =	sadd.s32 $0x10, s2;
	v25 =	vor.u32 v9, v12;
	v9 =	vand.u32 $0x7F, v22;
	[tilespmem:s16+$0x80] =	vst v11;
	v22 =	vld.idx.msk [tilespmem:v2+s22+$0x0], $0xffff;
	v2 =	vmovc v3;
	v3 =	vmov v20  }
0x175: {  	s14 =	sor.u32 $0x100, s6;
	v11 =	vor.u32 $0x80, v25;
	v26 =	vor.u32 v9, v14;
	s16 =	sadd.s32 $0x30, s2;
	v14 =	vld.idx.msk [tilespmem:v7+s22+$0x0], $0xffff;
	v7 =	vor.u32 $0x100, v25;
	[tilespmem:s0+$0x80] =	vst v13;
	s0 =	sadd.s32 $0x20, s2  }
.Ltmp7:
0x176: {  	v12 =	vor.u32 $0x180, v25;
	v13 =	vor.u32 $0x80, v26;
	s7 =	sor.u32 $0x100, s16;
	v15 =	vld.idx.msk [tilespmem:v8+s22+$0x0], $0xffff;
	v8 =	vor.u32 $0x100, v26;
	s26 =	sor.u32 $0x100, s0;
	[tilespmem:s31+$0xC900] =	vst v23;
	(pc) =	sbr.rel @p4 .LBB2_11-.Ltmp7, $4  }
0x177: {  	s6 =	sor.u32 $0x180, s6;
	v9 =	vor.u32 $0x180, v26;
	s31 =	sor.u32 $0x100, s2;
	s0 =	sor.u32 $0x180, s0;
	v18 =	vld.idx.msk [tilespmem:v17+s22+$0x0], $0xffff;
	[tilespmem:s7+$0xC900] =	vst v19  }
0x178: {  	s7 =	sor.u32 $0x180, s2;
	v17 =	vld.idx.msk [tilespmem:v16+s22+$0x0], $0xffff;
	[tilespmem:s1+$0xC900] =	vst v21;
	s1 =	smov.u32 s0  }
0x179: {  	s5 =	sadd.s32 $0x100, s5;
	v20 =	vor.u32 $0x80, v1;
	v16 =	vld.idx.msk [tilespmem:v25+s22+$0x0], $0xffff;
	[tilespmem:s3+$0x0] =	vst v24  }
0x17a: {  	s30 =	sadd.s32 $0x40, s30;
	s29 =	sand.u32 $0x1E00, s5;
	s0 =	sshra.s32 s5, $0x2;
	v19 =	vld.idx.msk [tilespmem:v26+s22+$0x0], $0xffff;
	[tilespmem:s24+$0xC900] =	vst v22  }
0x17b: {  	v21 =	vld [tilespmem:s0+$0x0];
	_ =	sdelay $0x4  }
0x17c: {  	v22 =	vshll.u32 v21, $0x2  }
0x17d: {  	v21 =	vand.u32 $0x7F, v21;
	v22 =	vand.u32 $0xFFFFFE00, v22  }
0x17e: {  	v21 =	vor.u32 v21, v22;
	_ =	sdelay $0x3  }
0x17f: {  	s29 =	sadd.s32 $0xC900, s29;
	[tilespmem:s14+$0xC900] =	vst v14  }
0x180: {  	[tilespmem:s26+$0xC900] =	vst v15;
	s2 =	sor.u32 s11, s29;
	v53 =	vld.idx.msk [tilespmem:v21+s22+$0x0], $0xffff  }
0x181: {  	v10 =	vld.idx.msk [tilespmem:v10+s22+$0x0], $0xffff;
	s30 =	sor.u32 $0x180, s16;
	[tilespmem:s2+$0x0] =	vst v18;
	v54 =	vor.u32 $0x80, v21  }
0x182: {  	v2 =	vld.idx.msk [tilespmem:v2+s22+$0x0], $0xffff;
	s9 =	sor.u32 s12, s29;
	[tilespmem:s30+$0xC900] =	vst v17  }
0x183: {  	s4 =	sor.u32 s25, s29;
	v18 =	vld.idx.msk [tilespmem:v20+s22+$0x0], $0xffff;
	[tilespmem:s9+$0x0] =	vst v19  }
0x184: {  	v55 =	vor.u32 $0x100, v1;
	s0 =	sor.u32 s10, s29;
	[tilespmem:s4+$0x0] =	vst v16;
	v13 =	vld.idx.msk [tilespmem:v13+s22+$0x0], $0xffff  }
0x185: {  	v11 =	vld.idx.msk [tilespmem:v11+s22+$0x0], $0xffff;
	[tilespmem:s0+$0x0] =	vst v53  }
0x186: {  	[tilespmem:s3+$0x80] =	vst v10;
	v56 =	vld.idx.msk [tilespmem:v54+s22+$0x0], $0xffff  }
0x187: {  	v5 =	vld.idx.msk [tilespmem:v5+s22+$0x0], $0xffff;
	[tilespmem:s28+$0xC900] =	vst v2;
	v57 =	vor.u32 $0x100, v21  }
0x188: {  	p3 =	por !p3, !p3;
	v6 =	vld.idx.msk [tilespmem:v6+s22+$0x0], $0xffff;
	[tilespmem:s2+$0x80] =	vst v18;
	s2 =	simm.s32 $0x1  }
0x189: {  	v58 =	vld.idx.msk [tilespmem:v55+s22+$0x0], $0xffff;
	s2 =	simm.s32 @!p3 $0x0;
	[tilespmem:s9+$0x80] =	vst v13  }
0x18a: {  	v1 =	vor.u32 $0x180, v1;
	[tilespmem:s4+$0x80] =	vst v11;
	s2 =	sshll.u32 s2, $0x6;
	v59 =	vld.idx.msk [tilespmem:v8+s22+$0x0], $0xffff  }
0x18b: {  	v7 =	vld.idx.msk [tilespmem:v7+s22+$0x0], $0xffff;
	s2 =	sadd.s32 s2, s5;
	[tilespmem:s0+$0x80] =	vst v56  }
0x18c: {  	[tilespmem:s6+$0xC900] =	vst v5;
	s10 =	sadd.s32 $0x30, s2;
	v60 =	vld.idx.msk [tilespmem:v57+s22+$0x0], $0xffff  }
0x18d: {  	v4 =	vld.idx.msk [tilespmem:v4+s22+$0x0], $0xffff;
	v61 =	vor.u32 $0x180, v21;
	[tilespmem:s31+$0xC900] =	vst v6;
	s5 =	sadd.s32 $0x20, s2;
	s12 =	sor.u32 $0x100, s10  }
0x18e: {  	s11 =	sadd.s32 $0x10, s2;
	v3 =	vld.idx.msk [tilespmem:v3+s22+$0x0], $0xffff;
	s16 =	sor.u32 $0x100, s5;
	[tilespmem:s12+$0xC900] =	vst v58  }
0x18f: {  	s14 =	sor.u32 $0x100, s11;
	v1 =	vld.idx.msk [tilespmem:v1+s22+$0x0], $0xffff;
	[tilespmem:s16+$0xC900] =	vst v59  }
0x190: {  	s24 =	sor.u32 $0x100, s2;
	[tilespmem:s14+$0xC900] =	vst v7;
	v63 =	vld.idx.msk [tilespmem:v9+s22+$0x0], $0xffff  }
0x191: {  	v62 =	vld.idx.msk [tilespmem:v12+s22+$0x0], $0xffff;
	[tilespmem:s24+$0xC900] =	vst v60  }
0x192: {  	[tilespmem:s1+$0xC900] =	vst v4;
	v2 =	vld.idx.msk [tilespmem:v61+s22+$0x0], $0xffff  }
0x193: {  	s25 =	sor.u32 $0x180, s10;
	[tilespmem:s7+$0xC900] =	vst v3  }
.Ltmp8:
0x194: {  	s26 =	sor.u32 $0x180, s5;
	[tilespmem:s25+$0xC900] =	vst v1;
	(pc) =	sbr.rel @p2 .LBB2_14-.Ltmp8, $4  }
0x195: {  	s28 =	sshll.u32 s8, $0x8;
	[tilespmem:s26+$0xC900] =	vst v63;
	s0 =	sor.u32 $0x180, s11  }
0x196: {  	s30 =	rddreg [dreg:$0x2];
	s8 =	sor.u32 $0x800, s28;
	s29 =	sor.u32 $0x180, s2;
	[tilespmem:s0+$0xC900] =	vst v62  }
0x197: {  	s31 =	simm.s32 $0xC900;
	s0 =	sadd.s32 s30, s8;
	[tilespmem:s29+$0xC900] =	vst v2  }
0x198: {  	[hbm4b:s0+s18] =	stream.strided.scatter [tilespmem:s31], [sflag:$0x7], $0x2000, s19, s18, $0x38;
	[tilespmem:$0x10900] =	vst v63  }
.Ltmp9:
0x199: {  	(pc) =	sbr.rel .LBB2_15-.Ltmp9, $4  }
0x19a: {  	s0 =	simm.s32 $0x4  }
0x19b: {  	_ =	swait.ge [sflag:s0], $0x2000  }
0x19c: {  	[sflag:s0] =	ssyncset.done $0x0  }
0x19d: {  	[sflag:s0] =	ssyncadd.s32 $0xFFFFE000  }
.LBB2_14:
0x19e: {  	s0 =	rddreg [dreg:$0xe]  }
0x19f: {  	s0 =	sadd.s32 s17, s0  }
0x1a0: {  	s1 =	rddreg [dreg:$0x0];
	s0 =	sshll.u32 s0, $0x8  }
.Ltmp10:
0x1a1: {  	s31 =	simm.s32 $0x4;
	s0 =	sadd.s32 s1, s0;
	(pc) =	sbr.rel @p0 .LBB2_16-.Ltmp10, $4  }
0x1a2: {  	[tilespmem:s22], [sflag:$0x3] =	stream.strided.gather [hbm4b:s0+s18], $0x2000, s19, s18, $0x38;
	[tilespmem:$0x10900] =	vst v63  }
0x1a3: {  	_ =	swait.ge [sflag:s31], $0x2000  }
0x1a4: {  	[sflag:s31] =	ssyncset.done $0x0  }
0x1a5: {  	[sflag:s31] =	ssyncadd.s32 $0xFFFFE000  }
.LBB2_15:
0x1a6: {  	s0 =	simm.s32 $0x8  }
0x1a7: {  	_ =	swait.ge [sflag:s0], $0x2000  }
0x1a8: {  	[sflag:s0] =	ssyncset.done $0x0  }
0x1a9: {  	[sflag:s0] =	ssyncadd.s32 $0xFFFFE000  }
.LBB2_16:
0x1aa: {  	s0 =	simm.s32 $0x0  }
0x1ab: {  	s3 =	sand.u32 $0x40, s0  }
0x1ac: {  	s1 =	sand.u32 $0x780, s0;
	s2 =	sor.u32 $0x30, s3  }
0x1ad: {  	s4 =	sor.u32 s2, s1  }
0x1ae: {  	s14 =	sor.u32 $0x10, s3;
	v1 =	vld [tilespmem:s4+$0x0]  }
0x1af: {  	s9 =	sor.u32 $0x20, s3;
	s5 =	sor.u32 s14, s1  }
0x1b0: {  	s1 =	sor.u32 s9, s1;
	v2 =	vld [tilespmem:s5+$0x0]  }
0x1b1: {  	v3 =	vld [tilespmem:s1+$0x0];
	_ =	sdelay $0x1  }
0x1b2: {  	v4 =	vshll.u32 v1, $0x2  }
0x1b3: {  	v1 =	vand.u32 $0x7F, v1;
	v4 =	vand.u32 $0xFFFFFE00, v4  }
0x1b4: {  	v1 =	vor.u32 v1, v4;
	v4 =	vshll.u32 v2, $0x2  }
0x1b5: {  	v5 =	vshll.u32 v3, $0x2;
	v2 =	vand.u32 $0x7F, v2;
	v4 =	vand.u32 $0xFFFFFE00, v4  }
0x1b6: {  	v3 =	vand.u32 $0x7F, v3;
	v2 =	vor.u32 v2, v4;
	v4 =	vand.u32 $0xFFFFFE00, v5  }
0x1b7: {  	v3 =	vor.u32 v3, v4;
	_ =	sdelay $0x1  }
0x1b8: {  	s16 =	simm.s32 $0x0;
	s24 =	simm.s32 $0x40;
	v4 =	vld.idx.msk [tilespmem:v1+s23+$0x0], $0xffff  }
0x1b9: {  	v7 =	vld [tilespmem:s16+$0x0];
	s1 =	sand.u32 $0x40, s24;
	v5 =	vor.u32 $0x80, v1  }
0x1ba: {  	s0 =	sand.u32 $0x1E00, s0;
	s25 =	sand.u32 $0x780, s24;
	s7 =	sor.u32 $0x30, s1;
	v6 =	vld.idx.msk [tilespmem:v2+s23+$0x0], $0xffff  }
0x1bb: {  	s10 =	sadd.s32 $0xE900, s0;
	s6 =	sor.u32 s7, s25;
	v8 =	vld.idx.msk [tilespmem:v3+s23+$0x0], $0xffff  }
0x1bc: {  	s0 =	sor.u32 s2, s10;
	v10 =	vld [tilespmem:s6+$0x0];
	v9 =	vor.u32 $0x80, v3  }
0x1bd: {  	s5 =	sor.u32 $0x10, s1;
	[tilespmem:s0+$0x0] =	vst v4  }
0x1be: {  	s26 =	sor.u32 s14, s10;
	s11 =	sor.u32 s5, s25;
	v12 =	vshll.u32 v7, $0x2;
	s6 =	sor.u32 $0x20, s1;
	v4 =	vor.u32 $0x80, v2;
	v5 =	vld.idx.msk [tilespmem:v5+s23+$0x0], $0xffff  }
0x1bf: {  	s9 =	sor.u32 s9, s10;
	v7 =	vand.u32 $0x7F, v7;
	v11 =	vld [tilespmem:s11+$0x0];
	v12 =	vand.u32 $0xFFFFFE00, v12;
	s2 =	sor.u32 s6, s25;
	v13 =	vor.u32 $0x100, v1;
	[tilespmem:s26+$0x0] =	vst v6  }
0x1c0: {  	v14 =	vld [tilespmem:s2+$0x0];
	v6 =	vor.u32 v7, v12;
	[tilespmem:s9+$0x0] =	vst v8  }
0x1c1: {  	v12 =	vshll.u32 v10, $0x2;
	v9 =	vld.idx.msk [tilespmem:v9+s23+$0x0], $0xffff  }
0x1c2: {  	v10 =	vand.u32 $0x7F, v10;
	v8 =	vor.u32 $0x100, v3;
	v12 =	vand.u32 $0xFFFFFE00, v12  }
0x1c3: {  	p0 =	por $0x0, $0x0;
	v10 =	vor.u32 v10, v12;
	v4 =	vld.idx.msk [tilespmem:v4+s23+$0x0], $0xffff;
	[tilespmem:s0+$0x80] =	vst v5;
	s0 =	simm.s32 $0x1  }
0x1c4: {  	v7 =	vor.u32 $0x100, v2;
	v13 =	vld.idx.msk [tilespmem:v13+s23+$0x0], $0xffff;
	s0 =	simm.s32 @!p0 $0x0  }
0x1c5: {  	v1 =	vor.u32 $0x180, v1;
	v5 =	vshll.u32 v11, $0x2;
	v15 =	vld.idx.msk [tilespmem:v6+s23+$0x0], $0xffff;
	s0 =	sshll.u32 s0, $0x6  }
0x1c6: {  	v12 =	vshll.u32 v14, $0x2;
	v11 =	vand.u32 $0x7F, v11;
	v5 =	vand.u32 $0xFFFFFE00, v5;
	s4 =	sadd.s32 $0x0, s0;
	[tilespmem:s9+$0x80] =	vst v9  }
0x1c7: {  	v12 =	vand.u32 $0xFFFFFE00, v12;
	v5 =	vor.u32 v11, v5;
	v11 =	vand.u32 $0x7F, v14;
	s14 =	sadd.s32 $0x30, s4;
	v8 =	vld.idx.msk [tilespmem:v8+s23+$0x0], $0xffff  }
0x1c8: {  	[tilespmem:s26+$0x80] =	vst v4;
	v4 =	vor.u32 v11, v12;
	v11 =	vld.idx.msk [tilespmem:v10+s23+$0x0], $0xffff;
	s12 =	sor.u32 $0x100, s14  }
0x1c9: {  	s24 =	simm.s32 $0x40;
	s25 =	simm.s32 $0x80;
	s2 =	sor.u32 s3, s10;
	v9 =	vor.u32 $0x80, v6;
	v7 =	vld.idx.msk [tilespmem:v7+s23+$0x0], $0xffff;
	[tilespmem:s12+$0xE900] =	vst v13  }
0x1ca: {  	s10 =	sand.u32 $0x40, s25;
	[tilespmem:s2+$0x0] =	vst v15;
	v15 =	vld [tilespmem:s24+$0x0]  }
0x1cb: {  	s16 =	simm.s32 $0x100;
	s11 =	sor.u32 $0x30, s10;
	s26 =	sand.u32 $0x780, s25;
	v12 =	vld.idx.msk [tilespmem:v1+s23+$0x0], $0xffff  }
0x1cc: {  	s0 =	sand.u32 $0x1E00, s16;
	s12 =	sor.u32 s11, s26;
	v1 =	vor.u32 $0x80, v10;
	v13 =	vld.idx.msk [tilespmem:v5+s23+$0x0], $0xffff  }
0x1cd: {  	v2 =	vor.u32 $0x180, v2;
	s3 =	sadd.s32 $0xE900, s0;
	v17 =	vld [tilespmem:s12+$0x0]  }
0x1ce: {  	s9 =	sadd.s32 $0x10, s4;
	s25 =	sor.u32 $0x10, s10;
	s0 =	sor.u32 s7, s3;
	v9 =	vld.idx.msk [tilespmem:v9+s23+$0x0], $0xffff  }
0x1cf: {  	s16 =	sor.u32 $0x100, s9;
	s24 =	sor.u32 s25, s26;
	v14 =	vld.idx.msk [tilespmem:v4+s23+$0x0], $0xffff;
	[tilespmem:s0+$0x0] =	vst v11;
	v11 =	vor.u32 $0x80, v5  }
0x1d0: {  	v16 =	vor.u32 $0x80, v4;
	[tilespmem:s16+$0xE900] =	vst v7;
	v7 =	vld [tilespmem:s24+$0x0]  }
0x1d1: {  	v18 =	vor.u32 $0x100, v6;
	s12 =	sor.u32 $0x20, s10;
	v1 =	vld.idx.msk [tilespmem:v1+s23+$0x0], $0xffff  }
0x1d2: {  	v20 =	vor.u32 $0x100, v10;
	s5 =	sor.u32 s5, s3;
	s7 =	sor.u32 s12, s26;
	v19 =	vld.idx.msk [tilespmem:v2+s23+$0x0], $0xffff;
	v2 =	vshll.u32 v15, $0x2  }
0x1d3: {  	v3 =	vor.u32 $0x180, v3;
	s6 =	sor.u32 s6, s3;
	v21 =	vld [tilespmem:s7+$0x0];
	v15 =	vand.u32 $0x7F, v15;
	v2 =	vand.u32 $0xFFFFFE00, v2;
	[tilespmem:s5+$0x0] =	vst v13  }
0x1d4: {  	v13 =	vor.u32 v15, v2;
	v2 =	vld.idx.msk [tilespmem:v11+s23+$0x0], $0xffff;
	[tilespmem:s6+$0x0] =	vst v14  }
0x1d5: {  	s16 =	sadd.s32 $0x20, s4;
	v15 =	vor.u32 $0x100, v4;
	[tilespmem:s2+$0x80] =	vst v9;
	v9 =	vshll.u32 v17, $0x2;
	v11 =	vor.u32 $0x100, v5;
	v16 =	vld.idx.msk [tilespmem:v16+s23+$0x0], $0xffff  }
0x1d6: {  	p0 =	por !p0, !p0;
	s24 =	sor.u32 $0x100, s16;
	v22 =	vld.idx.msk [tilespmem:v18+s23+$0x0], $0xffff;
	v14 =	vand.u32 $0x7F, v17;
	v9 =	vand.u32 $0xFFFFFE00, v9;
	[tilespmem:s0+$0x80] =	vst v1;
	v1 =	vshll.u32 v7, $0x2;
	s0 =	simm.s32 $0x1  }
0x1d7: {  	s26 =	sor.u32 $0x180, s14;
	[tilespmem:s24+$0xE900] =	vst v8;
	v8 =	vld.idx.msk [tilespmem:v20+s23+$0x0], $0xffff;
	v17 =	vand.u32 $0xFFFFFE00, v1;
	v1 =	vor.u32 v14, v9;
	s0 =	simm.s32 @!p0 $0x0  }
0x1d8: {  	[tilespmem:s26+$0xE900] =	vst v12;
	v9 =	vshll.u32 v21, $0x2;
	v20 =	vld.idx.msk [tilespmem:v3+s23+$0x0], $0xffff;
	v3 =	vand.u32 $0x7F, v7;
	v7 =	vor.u32 $0x180, v10;
	s0 =	sshll.u32 s0, $0x6  }
0x1d9: {  	s30 =	simm.s32 $0xC0;
	s28 =	sor.u32 $0x180, s4;
	v23 =	vld.idx.msk [tilespmem:v13+s23+$0x0], $0xffff;
	v9 =	vand.u32 $0xFFFFFE00, v9;
	v24 =	vor.u32 v3, v17;
	v3 =	vand.u32 $0x7F, v21;
	[tilespmem:s5+$0x80] =	vst v2;
	s0 =	sadd.s32 $0x100, s0  }
0x1da: {  	s9 =	sor.u32 $0x180, s9;
	s5 =	sor.u32 $0x180, s16;
	v21 =	vor.u32 v3, v9;
	v14 =	vld.idx.msk [tilespmem:v11+s23+$0x0], $0xffff;
	[tilespmem:s6+$0x80] =	vst v16;
	s16 =	sadd.s32 $0x30, s0  }
0x1db: {  	s3 =	sor.u32 s1, s3;
	s2 =	sor.u32 $0x100, s4;
	v4 =	vor.u32 $0x180, v4;
	[tilespmem:s9+$0xE900] =	vst v19;
	v15 =	vld.idx.msk [tilespmem:v15+s23+$0x0], $0xffff;
	s9 =	sor.u32 $0x100, s16  }
0x1dc: {  	s4 =	simm.s32 $0x8;
	v5 =	vor.u32 $0x180, v5;
	v10 =	vor.u32 $0x80, v13;
	v2 =	vor.u32 $0x180, v6;
	s6 =	sadd.s32 $0x10, s0;
	s24 =	sadd.s32 $0x20, s0;
	v18 =	vld.idx.msk [tilespmem:v1+s23+$0x0], $0xffff;
	[tilespmem:s9+$0xE900] =	vst v8  }
0x1dd: {  	v6 =	vor.u32 $0x100, v13;
	[tilespmem:s2+$0xE900] =	vst v22;
	v3 =	vor.u32 $0x180, v13;
	v11 =	vor.u32 $0x80, v24;
	s31 =	sor.u32 $0x100, s0;
	s7 =	sor.u32 $0x180, s0;
	s0 =	simm.s32 $0x80;
	v17 =	vld.idx.msk [tilespmem:v7+s23+$0x0], $0xffff  }
0x1de: {  	v12 =	vor.u32 $0x180, v24;
	v13 =	vor.u32 $0x80, v21;
	s14 =	sor.u32 $0x100, s6;
	s26 =	sor.u32 $0x100, s24;
	[tilespmem:s5+$0xE900] =	vst v20;
	s5 =	simm.s32 $0x200;
	v20 =	vor.u32 $0x80, v1;
	v16 =	vld.idx.msk [tilespmem:v24+s23+$0x0], $0xffff  }
0x1df: {  	v9 =	vor.u32 $0x180, v21;
	s6 =	sor.u32 $0x180, s6;
	s1 =	sor.u32 $0x180, s24;
	v8 =	vor.u32 $0x100, v21;
	[tilespmem:s3+$0x0] =	vst v23;
	v7 =	vor.u32 $0x100, v24;
	s29 =	sand.u32 $0x1E00, s5;
	v19 =	vld.idx.msk [tilespmem:v21+s23+$0x0], $0xffff  }
.LBB2_17:
0x1e0: {  	s2 =	sand.u32 $0x780, s30;
	v21 =	vld [tilespmem:s0+$0x0];
	s0 =	sadd.s32 $0xE900, s29;
	[tilespmem:s14+$0xE900] =	vst v14;
	s24 =	smov.u32 s28  }
0x1e1: {  	s9 =	sand.u32 $0x40, s30;
	s4 =	sadd.s32 $0x4, s4;
	s14 =	sor.u32 s11, s0;
	v14 =	vld.idx.msk [tilespmem:v10+s23+$0x0], $0xffff;
	[tilespmem:s26+$0xE900] =	vst v15  }
0x1e2: {  	s16 =	sor.u32 $0x180, s16;
	s11 =	sor.u32 $0x30, s9;
	p2 =	slt.u32 s4, $0x7C;
	[tilespmem:s14+$0x0] =	vst v18;
	v15 =	vld.idx.msk [tilespmem:v5+s23+$0x0], $0xffff;
	v5 =	vmov v12  }
0x1e3: {  	s26 =	sor.u32 $0x10, s9;
	s28 =	sor.u32 $0x20, s9;
	s29 =	sor.u32 s11, s2;
	v12 =	vld.idx.msk [tilespmem:v20+s23+$0x0], $0xffff;
	[tilespmem:s16+$0xE900] =	vst v17  }
0x1e4: {  	s16 =	sor.u32 s26, s2;
	s2 =	sor.u32 s28, s2;
	v17 =	vld [tilespmem:s29+$0x0];
	s29 =	sor.u32 s10, s0  }
0x1e5: {  	s10 =	smov.u32 s9;
	v18 =	vld [tilespmem:s16+$0x0];
	v10 =	vand.u32 $0x7F, v21;
	v20 =	vshll.u32 v21, $0x2;
	s16 =	sor.u32 s25, s0;
	s0 =	sor.u32 s12, s0;
	v21 =	vor.u32 $0x100, v1  }
0x1e6: {  	s25 =	smov.u32 s26;
	s12 =	smov.u32 s28;
	s28 =	smov.u32 s7;
	v22 =	vld [tilespmem:s2+$0x0];
	v20 =	vand.u32 $0xFFFFFE00, v20;
	[tilespmem:s16+$0x0] =	vst v16  }
0x1e7: {  	v16 =	vor.u32 v10, v20;
	v11 =	vld.idx.msk [tilespmem:v11+s23+$0x0], $0xffff;
	[tilespmem:s0+$0x0] =	vst v19  }
0x1e8: {  	v10 =	vor.u32 $0x80, v16;
	v19 =	vor.u32 $0x100, v16;
	v20 =	vor.u32 $0x180, v16;
	v13 =	vld.idx.msk [tilespmem:v13+s23+$0x0], $0xffff;
	[tilespmem:s3+$0x80] =	vst v14;
	s3 =	smov.u32 s29  }
0x1e9: {  	p0 =	por !p0, !p0;
	s2 =	simm.s32 $0x1;
	v14 =	vshll.u32 v17, $0x2;
	[tilespmem:s14+$0x80] =	vst v12;
	v23 =	vld.idx.msk [tilespmem:v6+s23+$0x0], $0xffff;
	v6 =	vmov v19  }
0x1ea: {  	s2 =	simm.s32 @!p0 $0x0;
	v17 =	vand.u32 $0x7F, v17;
	v12 =	vshll.u32 v18, $0x2;
	v14 =	vand.u32 $0xFFFFFE00, v14;
	v19 =	vld.idx.msk [tilespmem:v21+s23+$0x0], $0xffff;
	[tilespmem:s6+$0xE900] =	vst v15  }
0x1eb: {  	s2 =	sshll.u32 s2, $0x6;
	v12 =	vand.u32 $0xFFFFFE00, v12;
	v15 =	vshll.u32 v22, $0x2;
	v17 =	vor.u32 v17, v14;
	v21 =	vld.idx.msk [tilespmem:v4+s23+$0x0], $0xffff;
	v4 =	vmovc v9  }
0x1ec: {  	s2 =	sadd.s32 s2, s5;
	v9 =	vand.u32 $0x7F, v18;
	v14 =	vand.u32 $0xFFFFFE00, v15;
	v24 =	vld.idx.msk [tilespmem:v16+s23+$0x0], $0xffff;
	v16 =	vor.u32 $0x180, v1;
	v1 =	vmovc v17  }
0x1ed: {  	s6 =	sadd.s32 $0x10, s2;
	v25 =	vor.u32 v9, v12;
	v9 =	vand.u32 $0x7F, v22;
	[tilespmem:s16+$0x80] =	vst v11;
	v22 =	vld.idx.msk [tilespmem:v2+s23+$0x0], $0xffff;
	v2 =	vmovc v3;
	v3 =	vmov v20  }
0x1ee: {  	s14 =	sor.u32 $0x100, s6;
	v11 =	vor.u32 $0x80, v25;
	v26 =	vor.u32 v9, v14;
	s16 =	sadd.s32 $0x30, s2;
	v14 =	vld.idx.msk [tilespmem:v7+s23+$0x0], $0xffff;
	v7 =	vor.u32 $0x100, v25;
	[tilespmem:s0+$0x80] =	vst v13;
	s0 =	sadd.s32 $0x20, s2  }
.Ltmp11:
0x1ef: {  	v12 =	vor.u32 $0x180, v25;
	v13 =	vor.u32 $0x80, v26;
	s7 =	sor.u32 $0x100, s16;
	v15 =	vld.idx.msk [tilespmem:v8+s23+$0x0], $0xffff;
	v8 =	vor.u32 $0x100, v26;
	s26 =	sor.u32 $0x100, s0;
	[tilespmem:s31+$0xE900] =	vst v23;
	(pc) =	sbr.rel @p2 .LBB2_17-.Ltmp11, $4  }
0x1f0: {  	s6 =	sor.u32 $0x180, s6;
	v9 =	vor.u32 $0x180, v26;
	s31 =	sor.u32 $0x100, s2;
	s0 =	sor.u32 $0x180, s0;
	v18 =	vld.idx.msk [tilespmem:v17+s23+$0x0], $0xffff;
	[tilespmem:s7+$0xE900] =	vst v19  }
0x1f1: {  	s7 =	sor.u32 $0x180, s2;
	v17 =	vld.idx.msk [tilespmem:v16+s23+$0x0], $0xffff;
	[tilespmem:s1+$0xE900] =	vst v21;
	s1 =	smov.u32 s0  }
0x1f2: {  	s5 =	sadd.s32 $0x100, s5;
	v20 =	vor.u32 $0x80, v1;
	v16 =	vld.idx.msk [tilespmem:v25+s23+$0x0], $0xffff;
	[tilespmem:s3+$0x0] =	vst v24  }
0x1f3: {  	s30 =	sadd.s32 $0x40, s30;
	s29 =	sand.u32 $0x1E00, s5;
	s0 =	sshra.s32 s5, $0x2;
	v19 =	vld.idx.msk [tilespmem:v26+s23+$0x0], $0xffff;
	[tilespmem:s24+$0xE900] =	vst v22  }
0x1f4: {  	v21 =	vld [tilespmem:s0+$0x0];
	_ =	sdelay $0x4  }
0x1f5: {  	v22 =	vshll.u32 v21, $0x2  }
0x1f6: {  	v21 =	vand.u32 $0x7F, v21;
	v22 =	vand.u32 $0xFFFFFE00, v22  }
0x1f7: {  	v21 =	vor.u32 v21, v22;
	_ =	sdelay $0x3  }
0x1f8: {  	s29 =	sadd.s32 $0xE900, s29;
	[tilespmem:s14+$0xE900] =	vst v14  }
0x1f9: {  	[tilespmem:s26+$0xE900] =	vst v15;
	s2 =	sor.u32 s11, s29;
	v53 =	vld.idx.msk [tilespmem:v21+s23+$0x0], $0xffff  }
0x1fa: {  	v10 =	vld.idx.msk [tilespmem:v10+s23+$0x0], $0xffff;
	s30 =	sor.u32 $0x180, s16;
	[tilespmem:s2+$0x0] =	vst v18;
	v54 =	vor.u32 $0x80, v21  }
0x1fb: {  	v2 =	vld.idx.msk [tilespmem:v2+s23+$0x0], $0xffff;
	s9 =	sor.u32 s12, s29;
	[tilespmem:s30+$0xE900] =	vst v17  }
0x1fc: {  	s4 =	sor.u32 s25, s29;
	v18 =	vld.idx.msk [tilespmem:v20+s23+$0x0], $0xffff;
	[tilespmem:s9+$0x0] =	vst v19  }
0x1fd: {  	v55 =	vor.u32 $0x100, v1;
	s0 =	sor.u32 s10, s29;
	[tilespmem:s4+$0x0] =	vst v16;
	v13 =	vld.idx.msk [tilespmem:v13+s23+$0x0], $0xffff  }
0x1fe: {  	v11 =	vld.idx.msk [tilespmem:v11+s23+$0x0], $0xffff;
	[tilespmem:s0+$0x0] =	vst v53  }
0x1ff: {  	[tilespmem:s3+$0x80] =	vst v10;
	v56 =	vld.idx.msk [tilespmem:v54+s23+$0x0], $0xffff  }
0x200: {  	v5 =	vld.idx.msk [tilespmem:v5+s23+$0x0], $0xffff;
	[tilespmem:s28+$0xE900] =	vst v2;
	v57 =	vor.u32 $0x100, v21  }
0x201: {  	p0 =	por !p0, !p0;
	v6 =	vld.idx.msk [tilespmem:v6+s23+$0x0], $0xffff;
	[tilespmem:s2+$0x80] =	vst v18;
	s2 =	simm.s32 $0x1  }
0x202: {  	v58 =	vld.idx.msk [tilespmem:v55+s23+$0x0], $0xffff;
	s2 =	simm.s32 @!p0 $0x0;
	[tilespmem:s9+$0x80] =	vst v13  }
0x203: {  	v1 =	vor.u32 $0x180, v1;
	[tilespmem:s4+$0x80] =	vst v11;
	s2 =	sshll.u32 s2, $0x6;
	v59 =	vld.idx.msk [tilespmem:v8+s23+$0x0], $0xffff  }
0x204: {  	v7 =	vld.idx.msk [tilespmem:v7+s23+$0x0], $0xffff;
	s2 =	sadd.s32 s2, s5;
	[tilespmem:s0+$0x80] =	vst v56  }
0x205: {  	[tilespmem:s6+$0xE900] =	vst v5;
	s11 =	sadd.s32 $0x30, s2;
	v60 =	vld.idx.msk [tilespmem:v57+s23+$0x0], $0xffff  }
0x206: {  	v4 =	vld.idx.msk [tilespmem:v4+s23+$0x0], $0xffff;
	v61 =	vor.u32 $0x180, v21;
	[tilespmem:s31+$0xE900] =	vst v6;
	s5 =	sadd.s32 $0x20, s2;
	s14 =	sor.u32 $0x100, s11  }
0x207: {  	s12 =	sadd.s32 $0x10, s2;
	v3 =	vld.idx.msk [tilespmem:v3+s23+$0x0], $0xffff;
	s24 =	sor.u32 $0x100, s5;
	[tilespmem:s14+$0xE900] =	vst v58  }
0x208: {  	s16 =	sor.u32 $0x100, s12;
	v1 =	vld.idx.msk [tilespmem:v1+s23+$0x0], $0xffff;
	[tilespmem:s24+$0xE900] =	vst v59  }
0x209: {  	s25 =	sor.u32 $0x100, s2;
	[tilespmem:s16+$0xE900] =	vst v7;
	v63 =	vld.idx.msk [tilespmem:v9+s23+$0x0], $0xffff  }
0x20a: {  	v62 =	vld.idx.msk [tilespmem:v12+s23+$0x0], $0xffff;
	[tilespmem:s25+$0xE900] =	vst v60  }
0x20b: {  	[tilespmem:s1+$0xE900] =	vst v4;
	v2 =	vld.idx.msk [tilespmem:v61+s23+$0x0], $0xffff  }
0x20c: {  	s26 =	sor.u32 $0x180, s11;
	[tilespmem:s7+$0xE900] =	vst v3  }
.Ltmp12:
0x20d: {  	s28 =	sor.u32 $0x180, s5;
	[tilespmem:s26+$0xE900] =	vst v1;
	(pc) =	sbr.rel @p1 .LBB2_20-.Ltmp12, $4  }
0x20e: {  	[tilespmem:s28+$0xE900] =	vst v63;
	s0 =	sor.u32 $0x180, s12  }
0x20f: {  	s29 =	sor.u32 $0x180, s2;
	[tilespmem:s0+$0xE900] =	vst v62  }
0x210: {  	s30 =	sadd.s32 s8, s15;
	s31 =	simm.s32 $0xE900;
	[tilespmem:s29+$0xE900] =	vst v2  }
0x211: {  	[hbm4b:s30+s18] =	stream.strided.scatter [tilespmem:s31], [sflag:$0x8], $0x2000, s19, s18, $0x38;
	[tilespmem:$0x10900] =	vst v63  }
0x212: {  	s0 =	rddreg [dreg:$0xe]  }
.Ltmp13:
0x213: {  	s0 =	sadd.s32 s17, s0;
	(pc) =	sbr.rel .LBB2_2-.Ltmp13, $4  }
0x214: {  	s0 =	sshll.u32 s0, $0x8  }
0x215: {  	s1 =	rddreg [dreg:$0x8];
	s0 =	sand.u32 $0x3FF800, s0  }
0x216: {  	s13 =	sadd.s32 $0x1, s13;
	s0 =	sadd.s32 s0, s1  }
0x217: {  	[tilespmem:s23], [sflag:$0x4] =	stream.strided.gather [hbm4b:s0+s18], $0x2000, s19, s18, $0x38;
	[tilespmem:$0x10900] =	vst v63  }
.LBB2_21:
0x218: {  	_ =	sfence.sel $0x180000  }
0x219: {  	[bflag:$0x0] =	sbarrier.arrive $0xFFFF  }
0x21a: {  	_ =	strace $0x90000047  }
0x21b: {  	s0 =	stileid.u32;
	[bflag:$0x2] =	sbarrier.arrive $0xFFFF  }
0x21c: {  	p0 =	sne.s32 s0, $0x0;
	s0 =	rddreg [dreg:$0x4]  }
0x21d: {  	s0 =	sadd.s32 @!p0 $0x100000, s0  }
0x21e: {  	[sflag:s0] =	ssyncadd.tile.s32 @!p0 $0x1;
	_ =	shalt  }
.Lfunc_end2:
_tile_overlayer_lowered:
.L_overlay_start_2:
0x21f: {  	(tag) =	ssettag $0x2  }
0x220: {  	s0 =	rddreg [dreg:$0x0];
	s2 =	stileid.u32  }
0x221: {  	s1 =	rddreg [dreg:$0x1];
	p0 =	sne.s32 s2, $0x0  }
0x222: {  	s3 =	rddreg [dreg:$0x2];
	[bflag:$0x3] =	sbarrier.arrive $0xFFFF;
	s2 =	simm.s32 @!p0 $0x1C09  }
0x223: {  	[timem:s3], [sflag:s2] =	dma.local @!p0 [hbm:s0], s1  }
0x224: {  	s0 =	simm.s32 @!p0 $0x9  }
0x225: {  	_ =	swait.ge @!p0 [sflag:s0], s1  }
0x226: {  	s1 =	ssub.s32 @!p0 $0x0, s1;
	[sflag:s0] =	ssyncset.done @!p0 $0x0  }
0x227: {  	[sflag:s0] =	ssyncadd.s32 @!p0 s1  }
0x228: {  	[bflag:$0x3] =	sbarrier.arrive $0xFFFF  }
0x229: {  	_ =	shalt  }

</sc_bundles>
